<compile_context>
chip_gen: v7x
topology: tpu7x:2x2x1
jax: 0.10.2.dev20260603
libtpu: 0.0.44.dev20260713+nightly
codegen_flags: <defaults>
</compile_context>

<pallas_src>
import functools

import jax
import jax.numpy as jnp
from jax import lax
from jax.experimental import pallas as pl
from jax.experimental.pallas import tpu as pltpu
from jax.experimental.pallas import tpu_sc as plsc

N_NODES = 10000
N_EDGES = 320000
D = 128

NC, NS = 2, 16
NW = NC * NS
E_PER_W = N_EDGES // NW
CHUNK = 125
N_CHUNKS = E_PER_W // CHUNK
N_PAD = 10240
ROWS_PER_SUB = N_PAD // NS


def _make_sc_agg(with_deg):
  mesh = plsc.VectorSubcoreMesh(core_axis_name="c", subcore_axis_name="s")

  out_type = [jax.ShapeDtypeStruct((NC, N_PAD, D), jnp.bfloat16)]
  scratch = [
      pltpu.VMEM((N_CHUNKS, CHUNK), jnp.int32),
      pltpu.VMEM((N_CHUNKS, CHUNK), jnp.int32),
      pltpu.VMEM((CHUNK, D), jnp.bfloat16),
      pltpu.VMEM((CHUNK, D), jnp.bfloat16),
      pltpu.VMEM_SHARED((N_PAD, D), jnp.bfloat16),
      pltpu.SemaphoreType.DMA,
      pltpu.SemaphoreType.DMA,
      pltpu.SemaphoreType.DMA,
      pltpu.SemaphoreType.DMA,
  ]
  if with_deg:
    out_type.append(jax.ShapeDtypeStruct((NC, N_PAD, 8), jnp.float32))
    scratch += [
        pltpu.VMEM((CHUNK, 8), jnp.float32),
        pltpu.VMEM_SHARED((N_PAD, 8), jnp.float32),
    ]

  @functools.partial(
      pl.kernel,
      out_type=out_type,
      mesh=mesh,
      scratch_types=scratch,
      compiler_params=pltpu.CompilerParams(use_tc_tiling_on_sc=False),
  )
  def agg(z_hbm, edge_hbm, zeros_hbm, *rest):
    if with_deg:
      ones_hbm, zeros8_hbm, out_hbm, deg_hbm, src_v, dst_v, rows_a, rows_b, acc, \
          gsem_a, gsem_b, ssem_a, ssem_b, ones_v, dacc = rest
    else:
      out_hbm, src_v, dst_v, rows_a, rows_b, acc, \
          gsem_a, gsem_b, ssem_a, ssem_b = rest
    cid = lax.axis_index("c")
    sid = lax.axis_index("s")
    wid = sid * NC + cid
    r0 = sid * ROWS_PER_SUB
    pre = [pltpu.async_copy(edge_hbm.at[0, wid], src_v, gsem_a),
           pltpu.async_copy(edge_hbm.at[1, wid], dst_v, gsem_b),
           pltpu.async_copy(zeros_hbm.at[pl.ds(0, ROWS_PER_SUB)],
                            acc.at[pl.ds(r0, ROWS_PER_SUB)], ssem_a)]
    if with_deg:
      pre.append(pltpu.async_copy(ones_hbm, ones_v, ssem_b))
      pre.append(pltpu.async_copy(zeros8_hbm,
                                  dacc.at[pl.ds(r0, ROWS_PER_SUB)], ssem_b))
    for d in pre:
      d.wait()
    plsc.subcore_barrier()

    def wait_gather(rows, gsem):
      pltpu.make_async_copy(z_hbm.at[pl.ds(0, CHUNK)], rows, gsem).wait()

    def issue_scatter(rows, g, ssem):
      pltpu.async_copy(rows, acc.at[dst_v.at[g]], ssem, add=True)
      if with_deg:
        pltpu.async_copy(ones_v, dacc.at[dst_v.at[g]], ssem, add=True)

    def wait_scatter(rows, ssem):
      pltpu.make_async_copy(z_hbm.at[pl.ds(0, CHUNK)], rows, ssem).wait()
      if with_deg:
        pltpu.make_async_copy(ones_hbm, ones_v, ssem).wait()

    def gather(g, rows, gsem):
      pltpu.async_copy(z_hbm.at[src_v.at[g]], rows, gsem)

    gather(0, rows_a, gsem_a)
    wait_gather(rows_a, gsem_a)
    issue_scatter(rows_a, 0, ssem_a)
    gather(1, rows_b, gsem_b)

    def phase(g, rows_x, gsem_x, ssem_x, rows_y, ssem_y):
      wait_gather(rows_x, gsem_x)
      issue_scatter(rows_x, g, ssem_x)
      wait_scatter(rows_y, ssem_y)
      gather(g + 1, rows_y, gsem_a if rows_y is rows_a else gsem_b)

    def body(i, carry):
      g = 2 * i + 1
      phase(g, rows_b, gsem_b, ssem_b, rows_a, ssem_a)
      phase(g + 1, rows_a, gsem_a, ssem_a, rows_b, ssem_b)
      return carry

    lax.fori_loop(0, (N_CHUNKS - 2) // 2, body, 0)
    wait_gather(rows_b, gsem_b)
    issue_scatter(rows_b, N_CHUNKS - 1, ssem_b)
    wait_scatter(rows_a, ssem_a)
    wait_scatter(rows_b, ssem_b)
    plsc.subcore_barrier()
    post = [pltpu.async_copy(acc.at[pl.ds(r0, ROWS_PER_SUB)],
                             out_hbm.at[cid, pl.ds(r0, ROWS_PER_SUB)],
                             gsem_a)]
    if with_deg:
      post.append(pltpu.async_copy(dacc.at[pl.ds(r0, ROWS_PER_SUB)],
                                   deg_hbm.at[cid, pl.ds(r0, ROWS_PER_SUB)],
                                   gsem_b))
    for d in post:
      d.wait()

  return agg


_sc_agg_deg = _make_sc_agg(True)
_sc_agg_plain = _make_sc_agg(False)


BR = 2000


def _tc_layer1_body(x_ref, a_ref, d_ref,
                    ws_ref, wn_ref, b_ref, h_ref, hb_ref, inv_ref):
  deg = d_ref[0, :, 0] + d_ref[1, :, 0]
  inv = 1.0 / jnp.maximum(deg, 1.0)
  agg = a_ref[0].astype(jnp.float32) + a_ref[1].astype(jnp.float32)
  mean = agg * inv[:, None]
  h = (jnp.dot(x_ref[...], ws_ref[...], preferred_element_type=jnp.float32)
       + jnp.dot(mean, wn_ref[...], preferred_element_type=jnp.float32)
       + b_ref[...])
  h = jnp.maximum(h, 0.0)
  h_ref[...] = h
  hb_ref[...] = h.astype(jnp.bfloat16)
  inv_ref[...] = jnp.broadcast_to(inv[:, None], (BR, 8))


def _tc_layer2_body(h_ref, a_ref, inv_ref,
                    ws_ref, wn_ref, b_ref, out_ref):
  inv = inv_ref[:, 0]
  agg = a_ref[0].astype(jnp.float32) + a_ref[1].astype(jnp.float32)
  mean = agg * inv[:, None]
  out_ref[...] = (
      jnp.dot(h_ref[...], ws_ref[...], preferred_element_type=jnp.float32)
      + jnp.dot(mean, wn_ref[...], preferred_element_type=jnp.float32)
      + b_ref[...])


def _row_spec(w):
  return pl.BlockSpec((BR, w), lambda i: (i, 0))


def _pad_spec(w):
  return pl.BlockSpec((NC, BR, w), lambda i: (0, i, 0))


def _full_spec(shape):
  return pl.BlockSpec(shape, lambda i: tuple(0 for _ in shape))


_tc_layer1 = pl.pallas_call(
    _tc_layer1_body,
    grid=(N_NODES // BR,),
    in_specs=[
        _row_spec(D), _pad_spec(D), _pad_spec(8),
        _full_spec((D, D)), _full_spec((D, D)), _full_spec((1, D)),
    ],
    out_specs=[_row_spec(D), _row_spec(D), _row_spec(8)],
    out_shape=[
        jax.ShapeDtypeStruct((N_NODES, D), jnp.float32),
        jax.ShapeDtypeStruct((N_NODES, D), jnp.bfloat16),
        jax.ShapeDtypeStruct((N_NODES, 8), jnp.float32),
    ],
)

_tc_layer2 = pl.pallas_call(
    _tc_layer2_body,
    grid=(N_NODES // BR,),
    in_specs=[
        _row_spec(D), _pad_spec(D), _row_spec(8),
        _full_spec((D, D)), _full_spec((D, D)), _full_spec((1, D)),
    ],
    out_specs=_row_spec(D),
    out_shape=jax.ShapeDtypeStruct((N_NODES, D), jnp.float32),
)


@jax.jit
def kernel(x, edge_index, Ws1, Wn1, b1, Ws2, Wn2, b2):
  edges = edge_index.astype(jnp.int32).reshape(2, NW, N_CHUNKS, CHUNK)
  x = x.astype(jnp.float32)
  xb = x.astype(jnp.bfloat16)
  zeros_d = jnp.zeros((ROWS_PER_SUB, D), jnp.bfloat16)
  ones_8 = jnp.ones((CHUNK, 8), jnp.float32)

  zeros_8 = jnp.zeros((ROWS_PER_SUB, 8), jnp.float32)
  agg1, deg = _sc_agg_deg(xb, edges, zeros_d, ones_8, zeros_8)
  h, hb, inv = _tc_layer1(x, agg1, deg, Ws1, Wn1, b1.reshape(1, D))

  agg2 = _sc_agg_plain(hb, edges, zeros_d)[0]
  out = _tc_layer2(h, agg2, inv, Ws2, Wn2, b2.reshape(1, D))
  return out

# --- scband reference (transcript-rebuilt; emitter-appended) ---
"""Pipeline reference for scband-graph-sage-38113539785288 (READ-ONLY COPY).

The authoritative reference and input builder live on the scoring server;
editing this copy changes nothing except your own understanding.
"""

import jax, jax.numpy as jnp
import numpy as np

N_NODES = 10000
N_EDGES = 320000
D_IN = 128
D_HID = 128
D_OUT = 128


def setup_inputs(seed: int = 0) -> dict:
    key = jax.random.key(seed)
    ks = jax.random.split(key, 8)
    x = jax.random.normal(ks[0], (N_NODES, D_IN), dtype=jnp.float32)
    edge_index = jax.random.randint(ks[1], (2, N_EDGES), 0, N_NODES, dtype=jnp.int64)
    s1 = 1.0 / np.sqrt(D_IN)
    s2 = 1.0 / np.sqrt(D_HID)
    Ws1 = jax.random.uniform(ks[2], (D_IN, D_HID), dtype=jnp.float32, minval=-s1, maxval=s1)
    Wn1 = jax.random.uniform(ks[3], (D_IN, D_HID), dtype=jnp.float32, minval=-s1, maxval=s1)
    b1 = jnp.zeros((D_HID,), dtype=jnp.float32)
    Ws2 = jax.random.uniform(ks[4], (D_HID, D_OUT), dtype=jnp.float32, minval=-s2, maxval=s2)
    Wn2 = jax.random.uniform(ks[5], (D_HID, D_OUT), dtype=jnp.float32, minval=-s2, maxval=s2)
    b2 = jnp.zeros((D_OUT,), dtype=jnp.float32)
    return {"x": x, "edge_index": edge_index, "Ws1": Ws1, "Wn1": Wn1, "b1": b1,
            "Ws2": Ws2, "Wn2": Wn2, "b2": b2}


def _sage_layer(x, edge_index, Ws, Wn, b):
    # SAGEConv with mean aggregator: fc_self(h) + fc_neigh(mean_{j->i} h_j)
    src = edge_index[0]
    dst = edge_index[1]
    n = x.shape[0]
    msg = jnp.take(x, src, axis=0)                       # gather source features
    agg = jax.ops.segment_sum(msg, dst, num_segments=n)  # scatter-add by dst
    deg = jax.ops.segment_sum(jnp.ones((src.shape[0],), dtype=x.dtype), dst, num_segments=n)
    mean = agg / jnp.clip(deg, 1.0, None)[:, None]
    return x @ Ws + mean @ Wn + b


def reference(x, edge_index, Ws1, Wn1, b1, Ws2, Wn2, b2):
    h = _sage_layer(x, edge_index, Ws1, Wn1, b1)
    h = jax.nn.relu(h)
    # dropout p=0.5 is identity in eval mode
    out = _sage_layer(h, edge_index, Ws2, Wn2, b2)
    return out

if __name__ == "__main__":
    import jax
    _d = setup_inputs()
    print(jax.jit(kernel)(*tuple(_d.values())))

</pallas_src>

<mosaic_0001>
#map = affine_map<(d0, d1) -> (0, 0)>
#map1 = affine_map<(d0, d1) -> (0, 0, 0, 0)>
#map2 = affine_map<(d0, d1) -> (0, 0, 0)>
module attributes {stable_mosaic.version = 14 : i64} {
  func.func @agg(%arg0: i32, %arg1: i32, %arg2: memref<10000x128xbf16, #tpu.memory_space<hbm>>, %arg3: memref<2x32x80x125xi32, #tpu.memory_space<hbm>>, %arg4: memref<640x128xbf16, #tpu.memory_space<hbm>>, %arg5: memref<125x8xf32, #tpu.memory_space<hbm>>, %arg6: memref<640x8xf32, #tpu.memory_space<hbm>>, %arg7: memref<2x10240x128xbf16, #tpu.memory_space<hbm>>, %arg8: memref<2x10240x8xf32, #tpu.memory_space<hbm>>, %arg9: memref<80x125xi32, #tpu.memory_space<vmem>>, %arg10: memref<80x125xi32, #tpu.memory_space<vmem>>, %arg11: memref<125x128xbf16, #tpu.memory_space<vmem>>, %arg12: memref<125x128xbf16, #tpu.memory_space<vmem>>, %arg13: memref<10240x128xbf16, #tpu.memory_space<vmem_shared>>, %arg14: memref<!tpu.dma_semaphore, #tpu.memory_space<semaphore_mem>>, %arg15: memref<!tpu.dma_semaphore, #tpu.memory_space<semaphore_mem>>, %arg16: memref<!tpu.dma_semaphore, #tpu.memory_space<semaphore_mem>>, %arg17: memref<!tpu.dma_semaphore, #tpu.memory_space<semaphore_mem>>, %arg18: memref<125x8xf32, #tpu.memory_space<vmem>>, %arg19: memref<10240x8xf32, #tpu.memory_space<vmem_shared>>) attributes {dimension_semantics = [#tpu.dimension_semantics<core_parallel>, #tpu.dimension_semantics<subcore_parallel>], iteration_bounds = array<i64: 2, 16>, scalar_prefetch = 0 : i64, scratch_operands = 11 : i64, tpu.core_type = #tpu.core_type<sc_vector_subcore>, window_params = [{transform_indices = #map}, {transform_indices = #map1}, {transform_indices = #map}, {transform_indices = #map}, {transform_indices = #map}, {transform_indices = #map2}, {transform_indices = #map2}]} {
    %mul3A = arith.constant 2 : i32
    %mul3A_0 = arith.muli %arg1, %mul3A : i32
    %add3A = arith.addi %mul3A_0, %arg0 : i32
    %mul3A_1 = arith.constant 640 : i32
    %mul3A_2 = arith.muli %arg1, %mul3A_1 : i32
    %dma_start3A = arith.constant 0 : i32
    %dma_start3A_3 = arith.constant 0 : i32
    %dma_start3A_4 = arith.constant 0 : i32
    %dma_start3A_5 = tpu.memref_slice %arg3[%dma_start3A, %add3A, %dma_start3A_3, %dma_start3A_4] : memref<2x32x80x125xi32, #tpu.memory_space<hbm>> -> memref<1x1x80x125xi32, #tpu.memory_space<hbm>>
    %dma_start3A_6 = tpu.memref_squeeze %dma_start3A_5 : memref<1x1x80x125xi32, #tpu.memory_space<hbm>> -> memref<80x125xi32, #tpu.memory_space<hbm>>
    %dma_start3A_7 = arith.constant 0 : i32
    %dma_start3A_8 = arith.constant 0 : i32
    %dma_start3A_9 = tpu.memref_slice %arg3[%dma_start3A, %add3A, %dma_start3A_7, %dma_start3A_8] : memref<2x32x80x125xi32, #tpu.memory_space<hbm>> -> memref<1x1x80x125xi32, #tpu.memory_space<hbm>>
    %dma_start3A_10 = tpu.memref_squeeze %dma_start3A_9 : memref<1x1x80x125xi32, #tpu.memory_space<hbm>> -> memref<80x125xi32, #tpu.memory_space<hbm>>
    tpu.enqueue_dma source(%dma_start3A_10 : memref<80x125xi32, #tpu.memory_space<hbm>>) target(%arg9 : memref<80x125xi32, #tpu.memory_space<vmem>>) target_semaphore(%arg14 : memref<!tpu.dma_semaphore, #tpu.memory_space<semaphore_mem>>)
    %dma_start3A_11 = arith.constant 1 : i32
    %dma_start3A_12 = arith.constant 0 : i32
    %dma_start3A_13 = arith.constant 0 : i32
    %dma_start3A_14 = tpu.memref_slice %arg3[%dma_start3A_11, %add3A, %dma_start3A_12, %dma_start3A_13] : memref<2x32x80x125xi32, #tpu.memory_space<hbm>> -> memref<1x1x80x125xi32, #tpu.memory_space<hbm>>
    %dma_start3A_15 = tpu.memref_squeeze %dma_start3A_14 : memref<1x1x80x125xi32, #tpu.memory_space<hbm>> -> memref<80x125xi32, #tpu.memory_space<hbm>>
    %dma_start3A_16 = arith.constant 0 : i32
    %dma_start3A_17 = arith.constant 0 : i32
    %dma_start3A_18 = tpu.memref_slice %arg3[%dma_start3A_11, %add3A, %dma_start3A_16, %dma_start3A_17] : memref<2x32x80x125xi32, #tpu.memory_space<hbm>> -> memref<1x1x80x125xi32, #tpu.memory_space<hbm>>
    %dma_start3A_19 = tpu.memref_squeeze %dma_start3A_18 : memref<1x1x80x125xi32, #tpu.memory_space<hbm>> -> memref<80x125xi32, #tpu.memory_space<hbm>>
    tpu.enqueue_dma source(%dma_start3A_19 : memref<80x125xi32, #tpu.memory_space<hbm>>) target(%arg10 : memref<80x125xi32, #tpu.memory_space<vmem>>) target_semaphore(%arg15 : memref<!tpu.dma_semaphore, #tpu.memory_space<semaphore_mem>>)
    %dma_start3A_20 = arith.constant 0 : i32
    %dma_start3A_21 = tpu.memref_slice %arg13[%mul3A_2, %dma_start3A_20] : memref<10240x128xbf16, #tpu.memory_space<vmem_shared>> -> memref<640x128xbf16, #tpu.memory_space<vmem_shared>>
    %dma_start3A_22 = arith.constant 0 : i32
    %dma_start3A_23 = arith.constant 0 : i32
    %dma_start3A_24 = tpu.memref_slice %arg4[%dma_start3A_22, %dma_start3A_23] : memref<640x128xbf16, #tpu.memory_space<hbm>> -> memref<640x128xbf16, #tpu.memory_space<hbm>>
    tpu.enqueue_dma source(%dma_start3A_24 : memref<640x128xbf16, #tpu.memory_space<hbm>>) target(%dma_start3A_21 : memref<640x128xbf16, #tpu.memory_space<vmem_shared>>) target_semaphore(%arg16 : memref<!tpu.dma_semaphore, #tpu.memory_space<semaphore_mem>>)
    tpu.enqueue_dma source(%arg5 : memref<125x8xf32, #tpu.memory_space<hbm>>) target(%arg18 : memref<125x8xf32, #tpu.memory_space<vmem>>) target_semaphore(%arg17 : memref<!tpu.dma_semaphore, #tpu.memory_space<semaphore_mem>>)
    %dma_start3A_25 = arith.constant 0 : i32
    %dma_start3A_26 = tpu.memref_slice %arg19[%mul3A_2, %dma_start3A_25] : memref<10240x8xf32, #tpu.memory_space<vmem_shared>> -> memref<640x8xf32, #tpu.memory_space<vmem_shared>>
    tpu.enqueue_dma source(%arg6 : memref<640x8xf32, #tpu.memory_space<hbm>>) target(%dma_start3A_26 : memref<640x8xf32, #tpu.memory_space<vmem_shared>>) target_semaphore(%arg17 : memref<!tpu.dma_semaphore, #tpu.memory_space<semaphore_mem>>)
    %dma_wait3A = arith.constant 0 : i32
    %dma_wait3A_27 = arith.constant 0 : i32
    %dma_wait3A_28 = arith.constant 0 : i32
    %dma_wait3A_29 = tpu.memref_slice %arg3[%dma_wait3A, %add3A, %dma_wait3A_27, %dma_wait3A_28] : memref<2x32x80x125xi32, #tpu.memory_space<hbm>> -> memref<1x1x80x125xi32, #tpu.memory_space<hbm>>
    %dma_wait3A_30 = tpu.memref_squeeze %dma_wait3A_29 : memref<1x1x80x125xi32, #tpu.memory_space<hbm>> -> memref<80x125xi32, #tpu.memory_space<hbm>>
    %dma_wait3A_31 = arith.constant 0 : i32
    %dma_wait3A_32 = arith.constant 0 : i32
    %dma_wait3A_33 = tpu.memref_slice %arg3[%dma_wait3A, %add3A, %dma_wait3A_31, %dma_wait3A_32] : memref<2x32x80x125xi32, #tpu.memory_space<hbm>> -> memref<1x1x80x125xi32, #tpu.memory_space<hbm>>
    %dma_wait3A_34 = tpu.memref_squeeze %dma_wait3A_33 : memref<1x1x80x125xi32, #tpu.memory_space<hbm>> -> memref<80x125xi32, #tpu.memory_space<hbm>>
    tpu.wait_dma2 semaphore(%arg14 : memref<!tpu.dma_semaphore, #tpu.memory_space<semaphore_mem>>) src(%dma_wait3A_34 : memref<80x125xi32, #tpu.memory_space<hbm>>) dst(%arg9 : memref<80x125xi32, #tpu.memory_space<vmem>>)
    %dma_wait3A_35 = arith.constant 1 : i32
    %dma_wait3A_36 = arith.constant 0 : i32
    %dma_wait3A_37 = arith.constant 0 : i32
    %dma_wait3A_38 = tpu.memref_slice %arg3[%dma_wait3A_35, %add3A, %dma_wait3A_36, %dma_wait3A_37] : memref<2x32x80x125xi32, #tpu.memory_space<hbm>> -> memref<1x1x80x125xi32, #tpu.memory_space<hbm>>
    %dma_wait3A_39 = tpu.memref_squeeze %dma_wait3A_38 : memref<1x1x80x125xi32, #tpu.memory_space<hbm>> -> memref<80x125xi32, #tpu.memory_space<hbm>>
    %dma_wait3A_40 = arith.constant 0 : i32
    %dma_wait3A_41 = arith.constant 0 : i32
    %dma_wait3A_42 = tpu.memref_slice %arg3[%dma_wait3A_35, %add3A, %dma_wait3A_40, %dma_wait3A_41] : memref<2x32x80x125xi32, #tpu.memory_space<hbm>> -> memref<1x1x80x125xi32, #tpu.memory_space<hbm>>
    %dma_wait3A_43 = tpu.memref_squeeze %dma_wait3A_42 : memref<1x1x80x125xi32, #tpu.memory_space<hbm>> -> memref<80x125xi32, #tpu.memory_space<hbm>>
    tpu.wait_dma2 semaphore(%arg15 : memref<!tpu.dma_semaphore, #tpu.memory_space<semaphore_mem>>) src(%dma_wait3A_43 : memref<80x125xi32, #tpu.memory_space<hbm>>) dst(%arg10 : memref<80x125xi32, #tpu.memory_space<vmem>>)
    %dma_wait3A_44 = arith.constant 0 : i32
    %dma_wait3A_45 = tpu.memref_slice %arg13[%mul3A_2, %dma_wait3A_44] : memref<10240x128xbf16, #tpu.memory_space<vmem_shared>> -> memref<640x128xbf16, #tpu.memory_space<vmem_shared>>
    %dma_wait3A_46 = arith.constant 0 : i32
    %dma_wait3A_47 = arith.constant 0 : i32
    %dma_wait3A_48 = tpu.memref_slice %arg4[%dma_wait3A_46, %dma_wait3A_47] : memref<640x128xbf16, #tpu.memory_space<hbm>> -> memref<640x128xbf16, #tpu.memory_space<hbm>>
    tpu.wait_dma2 semaphore(%arg16 : memref<!tpu.dma_semaphore, #tpu.memory_space<semaphore_mem>>) src(%dma_wait3A_48 : memref<640x128xbf16, #tpu.memory_space<hbm>>) dst(%dma_wait3A_45 : memref<640x128xbf16, #tpu.memory_space<vmem_shared>>)
    tpu.wait_dma2 semaphore(%arg17 : memref<!tpu.dma_semaphore, #tpu.memory_space<semaphore_mem>>) src(%arg5 : memref<125x8xf32, #tpu.memory_space<hbm>>) dst(%arg18 : memref<125x8xf32, #tpu.memory_space<vmem>>)
    %dma_wait3A_49 = arith.constant 0 : i32
    %dma_wait3A_50 = tpu.memref_slice %arg19[%mul3A_2, %dma_wait3A_49] : memref<10240x8xf32, #tpu.memory_space<vmem_shared>> -> memref<640x8xf32, #tpu.memory_space<vmem_shared>>
    tpu.wait_dma2 semaphore(%arg17 : memref<!tpu.dma_semaphore, #tpu.memory_space<semaphore_mem>>) src(%arg6 : memref<640x8xf32, #tpu.memory_space<hbm>>) dst(%dma_wait3A_50 : memref<640x8xf32, #tpu.memory_space<vmem_shared>>)
    %barrier3A = arith.constant 0 : index
    tpu.barrier barrier_id(%barrier3A)
    %dma_start3A_51 = arith.constant 0 : i32
    %dma_start3A_52 = arith.constant 0 : i32
    %dma_start3A_53 = tpu.memref_slice %arg9[%dma_start3A_51, %dma_start3A_52] : memref<80x125xi32, #tpu.memory_space<vmem>> -> memref<1x125xi32, #tpu.memory_space<vmem>>
    %dma_start3A_54 = tpu.memref_squeeze %dma_start3A_53 : memref<1x125xi32, #tpu.memory_space<vmem>> -> memref<125xi32, #tpu.memory_space<vmem>>
    %dma_start3A_55 = arith.constant 0 : i32
    %dma_start3A_56 = arith.constant 0 : i32
    %dma_start3A_57 = tpu.memref_slice %arg2[%dma_start3A_55, %dma_start3A_56] : memref<10000x128xbf16, #tpu.memory_space<hbm>> -> memref<10000x128xbf16, #tpu.memory_space<hbm>>
    tpu.enqueue_indirect_dma source(%dma_start3A_57 : memref<10000x128xbf16, #tpu.memory_space<hbm>>) target(%arg11 : memref<125x128xbf16, #tpu.memory_space<vmem>>) offsets(%dma_start3A_54 : memref<125xi32, #tpu.memory_space<vmem>>) semaphore(%arg14 : memref<!tpu.dma_semaphore, #tpu.memory_space<semaphore_mem>>)
    %dma_wait3A_58 = arith.constant 0 : i32
    %dma_wait3A_59 = arith.constant 0 : i32
    %dma_wait3A_60 = tpu.memref_slice %arg2[%dma_wait3A_58, %dma_wait3A_59] : memref<10000x128xbf16, #tpu.memory_space<hbm>> -> memref<125x128xbf16, #tpu.memory_space<hbm>>
    %dma_wait3A_61 = arith.constant 0 : i32
    %dma_wait3A_62 = arith.constant 0 : i32
    %dma_wait3A_63 = tpu.memref_slice %arg2[%dma_wait3A_61, %dma_wait3A_62] : memref<10000x128xbf16, #tpu.memory_space<hbm>> -> memref<125x128xbf16, #tpu.memory_space<hbm>>
    tpu.wait_dma2 semaphore(%arg14 : memref<!tpu.dma_semaphore, #tpu.memory_space<semaphore_mem>>) src(%dma_wait3A_63 : memref<125x128xbf16, #tpu.memory_space<hbm>>) dst(%arg11 : memref<125x128xbf16, #tpu.memory_space<vmem>>)
    %dma_start3A_64 = arith.constant 0 : i32
    %dma_start3A_65 = arith.constant 0 : i32
    %dma_start3A_66 = tpu.memref_slice %arg10[%dma_start3A_64, %dma_start3A_65] : memref<80x125xi32, #tpu.memory_space<vmem>> -> memref<1x125xi32, #tpu.memory_space<vmem>>
    %dma_start3A_67 = tpu.memref_squeeze %dma_start3A_66 : memref<1x125xi32, #tpu.memory_space<vmem>> -> memref<125xi32, #tpu.memory_space<vmem>>
    %dma_start3A_68 = arith.constant 0 : i32
    %dma_start3A_69 = arith.constant 0 : i32
    %dma_start3A_70 = tpu.memref_slice %arg13[%dma_start3A_68, %dma_start3A_69] : memref<10240x128xbf16, #tpu.memory_space<vmem_shared>> -> memref<10240x128xbf16, #tpu.memory_space<vmem_shared>>
    tpu.enqueue_indirect_dma source(%arg11 : memref<125x128xbf16, #tpu.memory_space<vmem>>) target(%dma_start3A_70 : memref<10240x128xbf16, #tpu.memory_space<vmem_shared>>) offsets(%dma_start3A_67 : memref<125xi32, #tpu.memory_space<vmem>>) semaphore(%arg16 : memref<!tpu.dma_semaphore, #tpu.memory_space<semaphore_mem>>) {add = true}
    %dma_start3A_71 = arith.constant 0 : i32
    %dma_start3A_72 = arith.constant 0 : i32
    %dma_start3A_73 = tpu.memref_slice %arg10[%dma_start3A_71, %dma_start3A_72] : memref<80x125xi32, #tpu.memory_space<vmem>> -> memref<1x125xi32, #tpu.memory_space<vmem>>
    %dma_start3A_74 = tpu.memref_squeeze %dma_start3A_73 : memref<1x125xi32, #tpu.memory_space<vmem>> -> memref<125xi32, #tpu.memory_space<vmem>>
    %dma_start3A_75 = arith.constant 0 : i32
    %dma_start3A_76 = arith.constant 0 : i32
    %dma_start3A_77 = tpu.memref_slice %arg19[%dma_start3A_75, %dma_start3A_76] : memref<10240x8xf32, #tpu.memory_space<vmem_shared>> -> memref<10240x8xf32, #tpu.memory_space<vmem_shared>>
    tpu.enqueue_indirect_dma source(%arg18 : memref<125x8xf32, #tpu.memory_space<vmem>>) target(%dma_start3A_77 : memref<10240x8xf32, #tpu.memory_space<vmem_shared>>) offsets(%dma_start3A_74 : memref<125xi32, #tpu.memory_space<vmem>>) semaphore(%arg16 : memref<!tpu.dma_semaphore, #tpu.memory_space<semaphore_mem>>) {add = true}
    %dma_start3A_78 = arith.constant 1 : i32
    %dma_start3A_79 = arith.constant 0 : i32
    %dma_start3A_80 = tpu.memref_slice %arg9[%dma_start3A_78, %dma_start3A_79] : memref<80x125xi32, #tpu.memory_space<vmem>> -> memref<1x125xi32, #tpu.memory_space<vmem>>
    %dma_start3A_81 = tpu.memref_squeeze %dma_start3A_80 : memref<1x125xi32, #tpu.memory_space<vmem>> -> memref<125xi32, #tpu.memory_space<vmem>>
    %dma_start3A_82 = arith.constant 0 : i32
    %dma_start3A_83 = arith.constant 0 : i32
    %dma_start3A_84 = tpu.memref_slice %arg2[%dma_start3A_82, %dma_start3A_83] : memref<10000x128xbf16, #tpu.memory_space<hbm>> -> memref<10000x128xbf16, #tpu.memory_space<hbm>>
    tpu.enqueue_indirect_dma source(%dma_start3A_84 : memref<10000x128xbf16, #tpu.memory_space<hbm>>) target(%arg12 : memref<125x128xbf16, #tpu.memory_space<vmem>>) offsets(%dma_start3A_81 : memref<125xi32, #tpu.memory_space<vmem>>) semaphore(%arg15 : memref<!tpu.dma_semaphore, #tpu.memory_space<semaphore_mem>>)
    %scan3A = arith.constant 0 : i32
    %scan3A_85 = arith.constant 0 : i32
    %scan3A_86 = arith.constant 39 : i32
    %scan3A_87 = arith.addi %scan3A_85, %scan3A_86 : i32
    %scan3A_88 = arith.constant 1 : i32
    scf.for %scan3A_143 = %scan3A_85 to %scan3A_87 step %scan3A_88  : i32 {
      %mul3A_144 = arith.constant 2 : i32
      %mul3A_145 = arith.muli %mul3A_144, %scan3A_143 : i32
      %add3A_146 = arith.constant 1 : i32
      %add3A_147 = arith.addi %mul3A_145, %add3A_146 : i32
      %dma_wait3A_148 = arith.constant 0 : i32
      %dma_wait3A_149 = arith.constant 0 : i32
      %dma_wait3A_150 = tpu.memref_slice %arg2[%dma_wait3A_148, %dma_wait3A_149] : memref<10000x128xbf16, #tpu.memory_space<hbm>> -> memref<125x128xbf16, #tpu.memory_space<hbm>>
      %dma_wait3A_151 = arith.constant 0 : i32
      %dma_wait3A_152 = arith.constant 0 : i32
      %dma_wait3A_153 = tpu.memref_slice %arg2[%dma_wait3A_151, %dma_wait3A_152] : memref<10000x128xbf16, #tpu.memory_space<hbm>> -> memref<125x128xbf16, #tpu.memory_space<hbm>>
      tpu.wait_dma2 semaphore(%arg15 : memref<!tpu.dma_semaphore, #tpu.memory_space<semaphore_mem>>) src(%dma_wait3A_153 : memref<125x128xbf16, #tpu.memory_space<hbm>>) dst(%arg12 : memref<125x128xbf16, #tpu.memory_space<vmem>>)
      %dma_start3A_154 = arith.constant 0 : i32
      %dma_start3A_155 = tpu.memref_slice %arg10[%add3A_147, %dma_start3A_154] : memref<80x125xi32, #tpu.memory_space<vmem>> -> memref<1x125xi32, #tpu.memory_space<vmem>>
      %dma_start3A_156 = tpu.memref_squeeze %dma_start3A_155 : memref<1x125xi32, #tpu.memory_space<vmem>> -> memref<125xi32, #tpu.memory_space<vmem>>
      %dma_start3A_157 = arith.constant 0 : i32
      %dma_start3A_158 = arith.constant 0 : i32
      %dma_start3A_159 = tpu.memref_slice %arg13[%dma_start3A_157, %dma_start3A_158] : memref<10240x128xbf16, #tpu.memory_space<vmem_shared>> -> memref<10240x128xbf16, #tpu.memory_space<vmem_shared>>
      tpu.enqueue_indirect_dma source(%arg12 : memref<125x128xbf16, #tpu.memory_space<vmem>>) target(%dma_start3A_159 : memref<10240x128xbf16, #tpu.memory_space<vmem_shared>>) offsets(%dma_start3A_156 : memref<125xi32, #tpu.memory_space<vmem>>) semaphore(%arg17 : memref<!tpu.dma_semaphore, #tpu.memory_space<semaphore_mem>>) {add = true}
      %dma_start3A_160 = arith.constant 0 : i32
      %dma_start3A_161 = tpu.memref_slice %arg10[%add3A_147, %dma_start3A_160] : memref<80x125xi32, #tpu.memory_space<vmem>> -> memref<1x125xi32, #tpu.memory_space<vmem>>
      %dma_start3A_162 = tpu.memref_squeeze %dma_start3A_161 : memref<1x125xi32, #tpu.memory_space<vmem>> -> memref<125xi32, #tpu.memory_space<vmem>>
      %dma_start3A_163 = arith.constant 0 : i32
      %dma_start3A_164 = arith.constant 0 : i32
      %dma_start3A_165 = tpu.memref_slice %arg19[%dma_start3A_163, %dma_start3A_164] : memref<10240x8xf32, #tpu.memory_space<vmem_shared>> -> memref<10240x8xf32, #tpu.memory_space<vmem_shared>>
      tpu.enqueue_indirect_dma source(%arg18 : memref<125x8xf32, #tpu.memory_space<vmem>>) target(%dma_start3A_165 : memref<10240x8xf32, #tpu.memory_space<vmem_shared>>) offsets(%dma_start3A_162 : memref<125xi32, #tpu.memory_space<vmem>>) semaphore(%arg17 : memref<!tpu.dma_semaphore, #tpu.memory_space<semaphore_mem>>) {add = true}
      %dma_wait3A_166 = arith.constant 0 : i32
      %dma_wait3A_167 = arith.constant 0 : i32
      %dma_wait3A_168 = tpu.memref_slice %arg2[%dma_wait3A_166, %dma_wait3A_167] : memref<10000x128xbf16, #tpu.memory_space<hbm>> -> memref<125x128xbf16, #tpu.memory_space<hbm>>
      %dma_wait3A_169 = arith.constant 0 : i32
      %dma_wait3A_170 = arith.constant 0 : i32
      %dma_wait3A_171 = tpu.memref_slice %arg2[%dma_wait3A_169, %dma_wait3A_170] : memref<10000x128xbf16, #tpu.memory_space<hbm>> -> memref<125x128xbf16, #tpu.memory_space<hbm>>
      tpu.wait_dma2 semaphore(%arg16 : memref<!tpu.dma_semaphore, #tpu.memory_space<semaphore_mem>>) src(%dma_wait3A_171 : memref<125x128xbf16, #tpu.memory_space<hbm>>) dst(%arg11 : memref<125x128xbf16, #tpu.memory_space<vmem>>)
      tpu.wait_dma2 semaphore(%arg16 : memref<!tpu.dma_semaphore, #tpu.memory_space<semaphore_mem>>) src(%arg5 : memref<125x8xf32, #tpu.memory_space<hbm>>) dst(%arg18 : memref<125x8xf32, #tpu.memory_space<vmem>>)
      %add3A_172 = arith.constant 1 : i32
      %add3A_173 = arith.addi %add3A_147, %add3A_172 : i32
      %dma_start3A_174 = arith.constant 0 : i32
      %dma_start3A_175 = tpu.memref_slice %arg9[%add3A_173, %dma_start3A_174] : memref<80x125xi32, #tpu.memory_space<vmem>> -> memref<1x125xi32, #tpu.memory_space<vmem>>
      %dma_start3A_176 = tpu.memref_squeeze %dma_start3A_175 : memref<1x125xi32, #tpu.memory_space<vmem>> -> memref<125xi32, #tpu.memory_space<vmem>>
      %dma_start3A_177 = arith.constant 0 : i32
      %dma_start3A_178 = arith.constant 0 : i32
      %dma_start3A_179 = tpu.memref_slice %arg2[%dma_start3A_177, %dma_start3A_178] : memref<10000x128xbf16, #tpu.memory_space<hbm>> -> memref<10000x128xbf16, #tpu.memory_space<hbm>>
      tpu.enqueue_indirect_dma source(%dma_start3A_179 : memref<10000x128xbf16, #tpu.memory_space<hbm>>) target(%arg11 : memref<125x128xbf16, #tpu.memory_space<vmem>>) offsets(%dma_start3A_176 : memref<125xi32, #tpu.memory_space<vmem>>) semaphore(%arg14 : memref<!tpu.dma_semaphore, #tpu.memory_space<semaphore_mem>>)
      %add3A_180 = arith.constant 1 : i32
      %add3A_181 = arith.addi %add3A_147, %add3A_180 : i32
      %dma_wait3A_182 = arith.constant 0 : i32
      %dma_wait3A_183 = arith.constant 0 : i32
      %dma_wait3A_184 = tpu.memref_slice %arg2[%dma_wait3A_182, %dma_wait3A_183] : memref<10000x128xbf16, #tpu.memory_space<hbm>> -> memref<125x128xbf16, #tpu.memory_space<hbm>>
      %dma_wait3A_185 = arith.constant 0 : i32
      %dma_wait3A_186 = arith.constant 0 : i32
      %dma_wait3A_187 = tpu.memref_slice %arg2[%dma_wait3A_185, %dma_wait3A_186] : memref<10000x128xbf16, #tpu.memory_space<hbm>> -> memref<125x128xbf16, #tpu.memory_space<hbm>>
      tpu.wait_dma2 semaphore(%arg14 : memref<!tpu.dma_semaphore, #tpu.memory_space<semaphore_mem>>) src(%dma_wait3A_187 : memref<125x128xbf16, #tpu.memory_space<hbm>>) dst(%arg11 : memref<125x128xbf16, #tpu.memory_space<vmem>>)
      %dma_start3A_188 = arith.constant 0 : i32
      %dma_start3A_189 = tpu.memref_slice %arg10[%add3A_181, %dma_start3A_188] : memref<80x125xi32, #tpu.memory_space<vmem>> -> memref<1x125xi32, #tpu.memory_space<vmem>>
      %dma_start3A_190 = tpu.memref_squeeze %dma_start3A_189 : memref<1x125xi32, #tpu.memory_space<vmem>> -> memref<125xi32, #tpu.memory_space<vmem>>
      %dma_start3A_191 = arith.constant 0 : i32
      %dma_start3A_192 = arith.constant 0 : i32
      %dma_start3A_193 = tpu.memref_slice %arg13[%dma_start3A_191, %dma_start3A_192] : memref<10240x128xbf16, #tpu.memory_space<vmem_shared>> -> memref<10240x128xbf16, #tpu.memory_space<vmem_shared>>
      tpu.enqueue_indirect_dma source(%arg11 : memref<125x128xbf16, #tpu.memory_space<vmem>>) target(%dma_start3A_193 : memref<10240x128xbf16, #tpu.memory_space<vmem_shared>>) offsets(%dma_start3A_190 : memref<125xi32, #tpu.memory_space<vmem>>) semaphore(%arg16 : memref<!tpu.dma_semaphore, #tpu.memory_space<semaphore_mem>>) {add = true}
      %dma_start3A_194 = arith.constant 0 : i32
      %dma_start3A_195 = tpu.memref_slice %arg10[%add3A_181, %dma_start3A_194] : memref<80x125xi32, #tpu.memory_space<vmem>> -> memref<1x125xi32, #tpu.memory_space<vmem>>
      %dma_start3A_196 = tpu.memref_squeeze %dma_start3A_195 : memref<1x125xi32, #tpu.memory_space<vmem>> -> memref<125xi32, #tpu.memory_space<vmem>>
      %dma_start3A_197 = arith.constant 0 : i32
      %dma_start3A_198 = arith.constant 0 : i32
      %dma_start3A_199 = tpu.memref_slice %arg19[%dma_start3A_197, %dma_start3A_198] : memref<10240x8xf32, #tpu.memory_space<vmem_shared>> -> memref<10240x8xf32, #tpu.memory_space<vmem_shared>>
      tpu.enqueue_indirect_dma source(%arg18 : memref<125x8xf32, #tpu.memory_space<vmem>>) target(%dma_start3A_199 : memref<10240x8xf32, #tpu.memory_space<vmem_shared>>) offsets(%dma_start3A_196 : memref<125xi32, #tpu.memory_space<vmem>>) semaphore(%arg16 : memref<!tpu.dma_semaphore, #tpu.memory_space<semaphore_mem>>) {add = true}
      %dma_wait3A_200 = arith.constant 0 : i32
      %dma_wait3A_201 = arith.constant 0 : i32
      %dma_wait3A_202 = tpu.memref_slice %arg2[%dma_wait3A_200, %dma_wait3A_201] : memref<10000x128xbf16, #tpu.memory_space<hbm>> -> memref<125x128xbf16, #tpu.memory_space<hbm>>
      %dma_wait3A_203 = arith.constant 0 : i32
      %dma_wait3A_204 = arith.constant 0 : i32
      %dma_wait3A_205 = tpu.memref_slice %arg2[%dma_wait3A_203, %dma_wait3A_204] : memref<10000x128xbf16, #tpu.memory_space<hbm>> -> memref<125x128xbf16, #tpu.memory_space<hbm>>
      tpu.wait_dma2 semaphore(%arg17 : memref<!tpu.dma_semaphore, #tpu.memory_space<semaphore_mem>>) src(%dma_wait3A_205 : memref<125x128xbf16, #tpu.memory_space<hbm>>) dst(%arg12 : memref<125x128xbf16, #tpu.memory_space<vmem>>)
      tpu.wait_dma2 semaphore(%arg17 : memref<!tpu.dma_semaphore, #tpu.memory_space<semaphore_mem>>) src(%arg5 : memref<125x8xf32, #tpu.memory_space<hbm>>) dst(%arg18 : memref<125x8xf32, #tpu.memory_space<vmem>>)
      %add3A_206 = arith.constant 1 : i32
      %add3A_207 = arith.addi %add3A_181, %add3A_206 : i32
      %dma_start3A_208 = arith.constant 0 : i32
      %dma_start3A_209 = tpu.memref_slice %arg9[%add3A_207, %dma_start3A_208] : memref<80x125xi32, #tpu.memory_space<vmem>> -> memref<1x125xi32, #tpu.memory_space<vmem>>
      %dma_start3A_210 = tpu.memref_squeeze %dma_start3A_209 : memref<1x125xi32, #tpu.memory_space<vmem>> -> memref<125xi32, #tpu.memory_space<vmem>>
      %dma_start3A_211 = arith.constant 0 : i32
      %dma_start3A_212 = arith.constant 0 : i32
      %dma_start3A_213 = tpu.memref_slice %arg2[%dma_start3A_211, %dma_start3A_212] : memref<10000x128xbf16, #tpu.memory_space<hbm>> -> memref<10000x128xbf16, #tpu.memory_space<hbm>>
      tpu.enqueue_indirect_dma source(%dma_start3A_213 : memref<10000x128xbf16, #tpu.memory_space<hbm>>) target(%arg12 : memref<125x128xbf16, #tpu.memory_space<vmem>>) offsets(%dma_start3A_210 : memref<125xi32, #tpu.memory_space<vmem>>) semaphore(%arg15 : memref<!tpu.dma_semaphore, #tpu.memory_space<semaphore_mem>>)
    }
    %scan3A_89 = arith.constant 39 : i32
    %dma_wait3A_90 = arith.constant 0 : i32
    %dma_wait3A_91 = arith.constant 0 : i32
    %dma_wait3A_92 = tpu.memref_slice %arg2[%dma_wait3A_90, %dma_wait3A_91] : memref<10000x128xbf16, #tpu.memory_space<hbm>> -> memref<125x128xbf16, #tpu.memory_space<hbm>>
    %dma_wait3A_93 = arith.constant 0 : i32
    %dma_wait3A_94 = arith.constant 0 : i32
    %dma_wait3A_95 = tpu.memref_slice %arg2[%dma_wait3A_93, %dma_wait3A_94] : memref<10000x128xbf16, #tpu.memory_space<hbm>> -> memref<125x128xbf16, #tpu.memory_space<hbm>>
    tpu.wait_dma2 semaphore(%arg15 : memref<!tpu.dma_semaphore, #tpu.memory_space<semaphore_mem>>) src(%dma_wait3A_95 : memref<125x128xbf16, #tpu.memory_space<hbm>>) dst(%arg12 : memref<125x128xbf16, #tpu.memory_space<vmem>>)
    %dma_start3A_96 = arith.constant 79 : i32
    %dma_start3A_97 = arith.constant 0 : i32
    %dma_start3A_98 = tpu.memref_slice %arg10[%dma_start3A_96, %dma_start3A_97] : memref<80x125xi32, #tpu.memory_space<vmem>> -> memref<1x125xi32, #tpu.memory_space<vmem>>
    %dma_start3A_99 = tpu.memref_squeeze %dma_start3A_98 : memref<1x125xi32, #tpu.memory_space<vmem>> -> memref<125xi32, #tpu.memory_space<vmem>>
    %dma_start3A_100 = arith.constant 0 : i32
    %dma_start3A_101 = arith.constant 0 : i32
    %dma_start3A_102 = tpu.memref_slice %arg13[%dma_start3A_100, %dma_start3A_101] : memref<10240x128xbf16, #tpu.memory_space<vmem_shared>> -> memref<10240x128xbf16, #tpu.memory_space<vmem_shared>>
    tpu.enqueue_indirect_dma source(%arg12 : memref<125x128xbf16, #tpu.memory_space<vmem>>) target(%dma_start3A_102 : memref<10240x128xbf16, #tpu.memory_space<vmem_shared>>) offsets(%dma_start3A_99 : memref<125xi32, #tpu.memory_space<vmem>>) semaphore(%arg17 : memref<!tpu.dma_semaphore, #tpu.memory_space<semaphore_mem>>) {add = true}
    %dma_start3A_103 = arith.constant 79 : i32
    %dma_start3A_104 = arith.constant 0 : i32
    %dma_start3A_105 = tpu.memref_slice %arg10[%dma_start3A_103, %dma_start3A_104] : memref<80x125xi32, #tpu.memory_space<vmem>> -> memref<1x125xi32, #tpu.memory_space<vmem>>
    %dma_start3A_106 = tpu.memref_squeeze %dma_start3A_105 : memref<1x125xi32, #tpu.memory_space<vmem>> -> memref<125xi32, #tpu.memory_space<vmem>>
    %dma_start3A_107 = arith.constant 0 : i32
    %dma_start3A_108 = arith.constant 0 : i32
    %dma_start3A_109 = tpu.memref_slice %arg19[%dma_start3A_107, %dma_start3A_108] : memref<10240x8xf32, #tpu.memory_space<vmem_shared>> -> memref<10240x8xf32, #tpu.memory_space<vmem_shared>>
    tpu.enqueue_indirect_dma source(%arg18 : memref<125x8xf32, #tpu.memory_space<vmem>>) target(%dma_start3A_109 : memref<10240x8xf32, #tpu.memory_space<vmem_shared>>) offsets(%dma_start3A_106 : memref<125xi32, #tpu.memory_space<vmem>>) semaphore(%arg17 : memref<!tpu.dma_semaphore, #tpu.memory_space<semaphore_mem>>) {add = true}
    %dma_wait3A_110 = arith.constant 0 : i32
    %dma_wait3A_111 = arith.constant 0 : i32
    %dma_wait3A_112 = tpu.memref_slice %arg2[%dma_wait3A_110, %dma_wait3A_111] : memref<10000x128xbf16, #tpu.memory_space<hbm>> -> memref<125x128xbf16, #tpu.memory_space<hbm>>
    %dma_wait3A_113 = arith.constant 0 : i32
    %dma_wait3A_114 = arith.constant 0 : i32
    %dma_wait3A_115 = tpu.memref_slice %arg2[%dma_wait3A_113, %dma_wait3A_114] : memref<10000x128xbf16, #tpu.memory_space<hbm>> -> memref<125x128xbf16, #tpu.memory_space<hbm>>
    tpu.wait_dma2 semaphore(%arg16 : memref<!tpu.dma_semaphore, #tpu.memory_space<semaphore_mem>>) src(%dma_wait3A_115 : memref<125x128xbf16, #tpu.memory_space<hbm>>) dst(%arg11 : memref<125x128xbf16, #tpu.memory_space<vmem>>)
    tpu.wait_dma2 semaphore(%arg16 : memref<!tpu.dma_semaphore, #tpu.memory_space<semaphore_mem>>) src(%arg5 : memref<125x8xf32, #tpu.memory_space<hbm>>) dst(%arg18 : memref<125x8xf32, #tpu.memory_space<vmem>>)
    %dma_wait3A_116 = arith.constant 0 : i32
    %dma_wait3A_117 = arith.constant 0 : i32
    %dma_wait3A_118 = tpu.memref_slice %arg2[%dma_wait3A_116, %dma_wait3A_117] : memref<10000x128xbf16, #tpu.memory_space<hbm>> -> memref<125x128xbf16, #tpu.memory_space<hbm>>
    %dma_wait3A_119 = arith.constant 0 : i32
    %dma_wait3A_120 = arith.constant 0 : i32
    %dma_wait3A_121 = tpu.memref_slice %arg2[%dma_wait3A_119, %dma_wait3A_120] : memref<10000x128xbf16, #tpu.memory_space<hbm>> -> memref<125x128xbf16, #tpu.memory_space<hbm>>
    tpu.wait_dma2 semaphore(%arg17 : memref<!tpu.dma_semaphore, #tpu.memory_space<semaphore_mem>>) src(%dma_wait3A_121 : memref<125x128xbf16, #tpu.memory_space<hbm>>) dst(%arg12 : memref<125x128xbf16, #tpu.memory_space<vmem>>)
    tpu.wait_dma2 semaphore(%arg17 : memref<!tpu.dma_semaphore, #tpu.memory_space<semaphore_mem>>) src(%arg5 : memref<125x8xf32, #tpu.memory_space<hbm>>) dst(%arg18 : memref<125x8xf32, #tpu.memory_space<vmem>>)
    %barrier3A_122 = arith.constant 0 : index
    tpu.barrier barrier_id(%barrier3A_122)
    %dma_start3A_123 = arith.constant 0 : i32
    %dma_start3A_124 = tpu.memref_slice %arg7[%arg0, %mul3A_2, %dma_start3A_123] : memref<2x10240x128xbf16, #tpu.memory_space<hbm>> -> memref<1x640x128xbf16, #tpu.memory_space<hbm>>
    %dma_start3A_125 = tpu.memref_squeeze %dma_start3A_124 : memref<1x640x128xbf16, #tpu.memory_space<hbm>> -> memref<640x128xbf16, #tpu.memory_space<hbm>>
    %dma_start3A_126 = arith.constant 0 : i32
    %dma_start3A_127 = tpu.memref_slice %arg13[%mul3A_2, %dma_start3A_126] : memref<10240x128xbf16, #tpu.memory_space<vmem_shared>> -> memref<640x128xbf16, #tpu.memory_space<vmem_shared>>
    tpu.enqueue_dma source(%dma_start3A_127 : memref<640x128xbf16, #tpu.memory_space<vmem_shared>>) target(%dma_start3A_125 : memref<640x128xbf16, #tpu.memory_space<hbm>>) target_semaphore(%arg14 : memref<!tpu.dma_semaphore, #tpu.memory_space<semaphore_mem>>)
    %dma_start3A_128 = arith.constant 0 : i32
    %dma_start3A_129 = tpu.memref_slice %arg8[%arg0, %mul3A_2, %dma_start3A_128] : memref<2x10240x8xf32, #tpu.memory_space<hbm>> -> memref<1x640x8xf32, #tpu.memory_space<hbm>>
    %dma_start3A_130 = tpu.memref_squeeze %dma_start3A_129 : memref<1x640x8xf32, #tpu.memory_space<hbm>> -> memref<640x8xf32, #tpu.memory_space<hbm>>
    %dma_start3A_131 = arith.constant 0 : i32
    %dma_start3A_132 = tpu.memref_slice %arg19[%mul3A_2, %dma_start3A_131] : memref<10240x8xf32, #tpu.memory_space<vmem_shared>> -> memref<640x8xf32, #tpu.memory_space<vmem_shared>>
    tpu.enqueue_dma source(%dma_start3A_132 : memref<640x8xf32, #tpu.memory_space<vmem_shared>>) target(%dma_start3A_130 : memref<640x8xf32, #tpu.memory_space<hbm>>) target_semaphore(%arg15 : memref<!tpu.dma_semaphore, #tpu.memory_space<semaphore_mem>>)
    %dma_wait3A_133 = arith.constant 0 : i32
    %dma_wait3A_134 = tpu.memref_slice %arg7[%arg0, %mul3A_2, %dma_wait3A_133] : memref<2x10240x128xbf16, #tpu.memory_space<hbm>> -> memref<1x640x128xbf16, #tpu.memory_space<hbm>>
    %dma_wait3A_135 = tpu.memref_squeeze %dma_wait3A_134 : memref<1x640x128xbf16, #tpu.memory_space<hbm>> -> memref<640x128xbf16, #tpu.memory_space<hbm>>
    %dma_wait3A_136 = arith.constant 0 : i32
    %dma_wait3A_137 = tpu.memref_slice %arg13[%mul3A_2, %dma_wait3A_136] : memref<10240x128xbf16, #tpu.memory_space<vmem_shared>> -> memref<640x128xbf16, #tpu.memory_space<vmem_shared>>
    tpu.wait_dma2 semaphore(%arg14 : memref<!tpu.dma_semaphore, #tpu.memory_space<semaphore_mem>>) src(%dma_wait3A_137 : memref<640x128xbf16, #tpu.memory_space<vmem_shared>>) dst(%dma_wait3A_135 : memref<640x128xbf16, #tpu.memory_space<hbm>>)
    %dma_wait3A_138 = arith.constant 0 : i32
    %dma_wait3A_139 = tpu.memref_slice %arg8[%arg0, %mul3A_2, %dma_wait3A_138] : memref<2x10240x8xf32, #tpu.memory_space<hbm>> -> memref<1x640x8xf32, #tpu.memory_space<hbm>>
    %dma_wait3A_140 = tpu.memref_squeeze %dma_wait3A_139 : memref<1x640x8xf32, #tpu.memory_space<hbm>> -> memref<640x8xf32, #tpu.memory_space<hbm>>
    %dma_wait3A_141 = arith.constant 0 : i32
    %dma_wait3A_142 = tpu.memref_slice %arg19[%mul3A_2, %dma_wait3A_141] : memref<10240x8xf32, #tpu.memory_space<vmem_shared>> -> memref<640x8xf32, #tpu.memory_space<vmem_shared>>
    tpu.wait_dma2 semaphore(%arg15 : memref<!tpu.dma_semaphore, #tpu.memory_space<semaphore_mem>>) src(%dma_wait3A_142 : memref<640x8xf32, #tpu.memory_space<vmem_shared>>) dst(%dma_wait3A_140 : memref<640x8xf32, #tpu.memory_space<hbm>>)
    return
  }
}

#map = affine_map<(d0, d1) -> (0, 0)>
#map1 = affine_map<(d0, d1) -> (0, 0, 0, 0)>
#map2 = affine_map<(d0, d1) -> (0, 0, 0)>
module attributes {stable_mosaic.version = 14 : i64} {
  func.func @agg(%arg0: i32, %arg1: i32, %arg2: memref<10000x128xbf16, #tpu.memory_space<hbm>>, %arg3: memref<2x32x80x125xi32, #tpu.memory_space<hbm>>, %arg4: memref<640x128xbf16, #tpu.memory_space<hbm>>, %arg5: memref<2x10240x128xbf16, #tpu.memory_space<hbm>>, %arg6: memref<80x125xi32, #tpu.memory_space<vmem>>, %arg7: memref<80x125xi32, #tpu.memory_space<vmem>>, %arg8: memref<125x128xbf16, #tpu.memory_space<vmem>>, %arg9: memref<125x128xbf16, #tpu.memory_space<vmem>>, %arg10: memref<10240x128xbf16, #tpu.memory_space<vmem_shared>>, %arg11: memref<!tpu.dma_semaphore, #tpu.memory_space<semaphore_mem>>, %arg12: memref<!tpu.dma_semaphore, #tpu.memory_space<semaphore_mem>>, %arg13: memref<!tpu.dma_semaphore, #tpu.memory_space<semaphore_mem>>, %arg14: memref<!tpu.dma_semaphore, #tpu.memory_space<semaphore_mem>>) attributes {dimension_semantics = [#tpu.dimension_semantics<core_parallel>, #tpu.dimension_semantics<subcore_parallel>], iteration_bounds = array<i64: 2, 16>, scalar_prefetch = 0 : i64, scratch_operands = 9 : i64, tpu.core_type = #tpu.core_type<sc_vector_subcore>, window_params = [{transform_indices = #map}, {transform_indices = #map1}, {transform_indices = #map}, {transform_indices = #map2}]} {
    %mul3A = arith.constant 2 : i32
    %mul3A_0 = arith.muli %arg1, %mul3A : i32
    %add3A = arith.addi %mul3A_0, %arg0 : i32
    %mul3A_1 = arith.constant 640 : i32
    %mul3A_2 = arith.muli %arg1, %mul3A_1 : i32
    %dma_start3A = arith.constant 0 : i32
    %dma_start3A_3 = arith.constant 0 : i32
    %dma_start3A_4 = arith.constant 0 : i32
    %dma_start3A_5 = tpu.memref_slice %arg3[%dma_start3A, %add3A, %dma_start3A_3, %dma_start3A_4] : memref<2x32x80x125xi32, #tpu.memory_space<hbm>> -> memref<1x1x80x125xi32, #tpu.memory_space<hbm>>
    %dma_start3A_6 = tpu.memref_squeeze %dma_start3A_5 : memref<1x1x80x125xi32, #tpu.memory_space<hbm>> -> memref<80x125xi32, #tpu.memory_space<hbm>>
    %dma_start3A_7 = arith.constant 0 : i32
    %dma_start3A_8 = arith.constant 0 : i32
    %dma_start3A_9 = tpu.memref_slice %arg3[%dma_start3A, %add3A, %dma_start3A_7, %dma_start3A_8] : memref<2x32x80x125xi32, #tpu.memory_space<hbm>> -> memref<1x1x80x125xi32, #tpu.memory_space<hbm>>
    %dma_start3A_10 = tpu.memref_squeeze %dma_start3A_9 : memref<1x1x80x125xi32, #tpu.memory_space<hbm>> -> memref<80x125xi32, #tpu.memory_space<hbm>>
    tpu.enqueue_dma source(%dma_start3A_10 : memref<80x125xi32, #tpu.memory_space<hbm>>) target(%arg6 : memref<80x125xi32, #tpu.memory_space<vmem>>) target_semaphore(%arg11 : memref<!tpu.dma_semaphore, #tpu.memory_space<semaphore_mem>>)
    %dma_start3A_11 = arith.constant 1 : i32
    %dma_start3A_12 = arith.constant 0 : i32
    %dma_start3A_13 = arith.constant 0 : i32
    %dma_start3A_14 = tpu.memref_slice %arg3[%dma_start3A_11, %add3A, %dma_start3A_12, %dma_start3A_13] : memref<2x32x80x125xi32, #tpu.memory_space<hbm>> -> memref<1x1x80x125xi32, #tpu.memory_space<hbm>>
    %dma_start3A_15 = tpu.memref_squeeze %dma_start3A_14 : memref<1x1x80x125xi32, #tpu.memory_space<hbm>> -> memref<80x125xi32, #tpu.memory_space<hbm>>
    %dma_start3A_16 = arith.constant 0 : i32
    %dma_start3A_17 = arith.constant 0 : i32
    %dma_start3A_18 = tpu.memref_slice %arg3[%dma_start3A_11, %add3A, %dma_start3A_16, %dma_start3A_17] : memref<2x32x80x125xi32, #tpu.memory_space<hbm>> -> memref<1x1x80x125xi32, #tpu.memory_space<hbm>>
    %dma_start3A_19 = tpu.memref_squeeze %dma_start3A_18 : memref<1x1x80x125xi32, #tpu.memory_space<hbm>> -> memref<80x125xi32, #tpu.memory_space<hbm>>
    tpu.enqueue_dma source(%dma_start3A_19 : memref<80x125xi32, #tpu.memory_space<hbm>>) target(%arg7 : memref<80x125xi32, #tpu.memory_space<vmem>>) target_semaphore(%arg12 : memref<!tpu.dma_semaphore, #tpu.memory_space<semaphore_mem>>)
    %dma_start3A_20 = arith.constant 0 : i32
    %dma_start3A_21 = tpu.memref_slice %arg10[%mul3A_2, %dma_start3A_20] : memref<10240x128xbf16, #tpu.memory_space<vmem_shared>> -> memref<640x128xbf16, #tpu.memory_space<vmem_shared>>
    %dma_start3A_22 = arith.constant 0 : i32
    %dma_start3A_23 = arith.constant 0 : i32
    %dma_start3A_24 = tpu.memref_slice %arg4[%dma_start3A_22, %dma_start3A_23] : memref<640x128xbf16, #tpu.memory_space<hbm>> -> memref<640x128xbf16, #tpu.memory_space<hbm>>
    tpu.enqueue_dma source(%dma_start3A_24 : memref<640x128xbf16, #tpu.memory_space<hbm>>) target(%dma_start3A_21 : memref<640x128xbf16, #tpu.memory_space<vmem_shared>>) target_semaphore(%arg13 : memref<!tpu.dma_semaphore, #tpu.memory_space<semaphore_mem>>)
    %dma_wait3A = arith.constant 0 : i32
    %dma_wait3A_25 = arith.constant 0 : i32
    %dma_wait3A_26 = arith.constant 0 : i32
    %dma_wait3A_27 = tpu.memref_slice %arg3[%dma_wait3A, %add3A, %dma_wait3A_25, %dma_wait3A_26] : memref<2x32x80x125xi32, #tpu.memory_space<hbm>> -> memref<1x1x80x125xi32, #tpu.memory_space<hbm>>
    %dma_wait3A_28 = tpu.memref_squeeze %dma_wait3A_27 : memref<1x1x80x125xi32, #tpu.memory_space<hbm>> -> memref<80x125xi32, #tpu.memory_space<hbm>>
    %dma_wait3A_29 = arith.constant 0 : i32
    %dma_wait3A_30 = arith.constant 0 : i32
    %dma_wait3A_31 = tpu.memref_slice %arg3[%dma_wait3A, %add3A, %dma_wait3A_29, %dma_wait3A_30] : memref<2x32x80x125xi32, #tpu.memory_space<hbm>> -> memref<1x1x80x125xi32, #tpu.memory_space<hbm>>
    %dma_wait3A_32 = tpu.memref_squeeze %dma_wait3A_31 : memref<1x1x80x125xi32, #tpu.memory_space<hbm>> -> memref<80x125xi32, #tpu.memory_space<hbm>>
    tpu.wait_dma2 semaphore(%arg11 : memref<!tpu.dma_semaphore, #tpu.memory_space<semaphore_mem>>) src(%dma_wait3A_32 : memref<80x125xi32, #tpu.memory_space<hbm>>) dst(%arg6 : memref<80x125xi32, #tpu.memory_space<vmem>>)
    %dma_wait3A_33 = arith.constant 1 : i32
    %dma_wait3A_34 = arith.constant 0 : i32
    %dma_wait3A_35 = arith.constant 0 : i32
    %dma_wait3A_36 = tpu.memref_slice %arg3[%dma_wait3A_33, %add3A, %dma_wait3A_34, %dma_wait3A_35] : memref<2x32x80x125xi32, #tpu.memory_space<hbm>> -> memref<1x1x80x125xi32, #tpu.memory_space<hbm>>
    %dma_wait3A_37 = tpu.memref_squeeze %dma_wait3A_36 : memref<1x1x80x125xi32, #tpu.memory_space<hbm>> -> memref<80x125xi32, #tpu.memory_space<hbm>>
    %dma_wait3A_38 = arith.constant 0 : i32
    %dma_wait3A_39 = arith.constant 0 : i32
    %dma_wait3A_40 = tpu.memref_slice %arg3[%dma_wait3A_33, %add3A, %dma_wait3A_38, %dma_wait3A_39] : memref<2x32x80x125xi32, #tpu.memory_space<hbm>> -> memref<1x1x80x125xi32, #tpu.memory_space<hbm>>
    %dma_wait3A_41 = tpu.memref_squeeze %dma_wait3A_40 : memref<1x1x80x125xi32, #tpu.memory_space<hbm>> -> memref<80x125xi32, #tpu.memory_space<hbm>>
    tpu.wait_dma2 semaphore(%arg12 : memref<!tpu.dma_semaphore, #tpu.memory_space<semaphore_mem>>) src(%dma_wait3A_41 : memref<80x125xi32, #tpu.memory_space<hbm>>) dst(%arg7 : memref<80x125xi32, #tpu.memory_space<vmem>>)
    %dma_wait3A_42 = arith.constant 0 : i32
    %dma_wait3A_43 = tpu.memref_slice %arg10[%mul3A_2, %dma_wait3A_42] : memref<10240x128xbf16, #tpu.memory_space<vmem_shared>> -> memref<640x128xbf16, #tpu.memory_space<vmem_shared>>
    %dma_wait3A_44 = arith.constant 0 : i32
    %dma_wait3A_45 = arith.constant 0 : i32
    %dma_wait3A_46 = tpu.memref_slice %arg4[%dma_wait3A_44, %dma_wait3A_45] : memref<640x128xbf16, #tpu.memory_space<hbm>> -> memref<640x128xbf16, #tpu.memory_space<hbm>>
    tpu.wait_dma2 semaphore(%arg13 : memref<!tpu.dma_semaphore, #tpu.memory_space<semaphore_mem>>) src(%dma_wait3A_46 : memref<640x128xbf16, #tpu.memory_space<hbm>>) dst(%dma_wait3A_43 : memref<640x128xbf16, #tpu.memory_space<vmem_shared>>)
    %barrier3A = arith.constant 0 : index
    tpu.barrier barrier_id(%barrier3A)
    %dma_start3A_47 = arith.constant 0 : i32
    %dma_start3A_48 = arith.constant 0 : i32
    %dma_start3A_49 = tpu.memref_slice %arg6[%dma_start3A_47, %dma_start3A_48] : memref<80x125xi32, #tpu.memory_space<vmem>> -> memref<1x125xi32, #tpu.memory_space<vmem>>
    %dma_start3A_50 = tpu.memref_squeeze %dma_start3A_49 : memref<1x125xi32, #tpu.memory_space<vmem>> -> memref<125xi32, #tpu.memory_space<vmem>>
    %dma_start3A_51 = arith.constant 0 : i32
    %dma_start3A_52 = arith.constant 0 : i32
    %dma_start3A_53 = tpu.memref_slice %arg2[%dma_start3A_51, %dma_start3A_52] : memref<10000x128xbf16, #tpu.memory_space<hbm>> -> memref<10000x128xbf16, #tpu.memory_space<hbm>>
    tpu.enqueue_indirect_dma source(%dma_start3A_53 : memref<10000x128xbf16, #tpu.memory_space<hbm>>) target(%arg8 : memref<125x128xbf16, #tpu.memory_space<vmem>>) offsets(%dma_start3A_50 : memref<125xi32, #tpu.memory_space<vmem>>) semaphore(%arg11 : memref<!tpu.dma_semaphore, #tpu.memory_space<semaphore_mem>>)
    %dma_wait3A_54 = arith.constant 0 : i32
    %dma_wait3A_55 = arith.constant 0 : i32
    %dma_wait3A_56 = tpu.memref_slice %arg2[%dma_wait3A_54, %dma_wait3A_55] : memref<10000x128xbf16, #tpu.memory_space<hbm>> -> memref<125x128xbf16, #tpu.memory_space<hbm>>
    %dma_wait3A_57 = arith.constant 0 : i32
    %dma_wait3A_58 = arith.constant 0 : i32
    %dma_wait3A_59 = tpu.memref_slice %arg2[%dma_wait3A_57, %dma_wait3A_58] : memref<10000x128xbf16, #tpu.memory_space<hbm>> -> memref<125x128xbf16, #tpu.memory_space<hbm>>
    tpu.wait_dma2 semaphore(%arg11 : memref<!tpu.dma_semaphore, #tpu.memory_space<semaphore_mem>>) src(%dma_wait3A_59 : memref<125x128xbf16, #tpu.memory_space<hbm>>) dst(%arg8 : memref<125x128xbf16, #tpu.memory_space<vmem>>)
    %dma_start3A_60 = arith.constant 0 : i32
    %dma_start3A_61 = arith.constant 0 : i32
    %dma_start3A_62 = tpu.memref_slice %arg7[%dma_start3A_60, %dma_start3A_61] : memref<80x125xi32, #tpu.memory_space<vmem>> -> memref<1x125xi32, #tpu.memory_space<vmem>>
    %dma_start3A_63 = tpu.memref_squeeze %dma_start3A_62 : memref<1x125xi32, #tpu.memory_space<vmem>> -> memref<125xi32, #tpu.memory_space<vmem>>
    %dma_start3A_64 = arith.constant 0 : i32
    %dma_start3A_65 = arith.constant 0 : i32
    %dma_start3A_66 = tpu.memref_slice %arg10[%dma_start3A_64, %dma_start3A_65] : memref<10240x128xbf16, #tpu.memory_space<vmem_shared>> -> memref<10240x128xbf16, #tpu.memory_space<vmem_shared>>
    tpu.enqueue_indirect_dma source(%arg8 : memref<125x128xbf16, #tpu.memory_space<vmem>>) target(%dma_start3A_66 : memref<10240x128xbf16, #tpu.memory_space<vmem_shared>>) offsets(%dma_start3A_63 : memref<125xi32, #tpu.memory_space<vmem>>) semaphore(%arg13 : memref<!tpu.dma_semaphore, #tpu.memory_space<semaphore_mem>>) {add = true}
    %dma_start3A_67 = arith.constant 1 : i32
    %dma_start3A_68 = arith.constant 0 : i32
    %dma_start3A_69 = tpu.memref_slice %arg6[%dma_start3A_67, %dma_start3A_68] : memref<80x125xi32, #tpu.memory_space<vmem>> -> memref<1x125xi32, #tpu.memory_space<vmem>>
    %dma_start3A_70 = tpu.memref_squeeze %dma_start3A_69 : memref<1x125xi32, #tpu.memory_space<vmem>> -> memref<125xi32, #tpu.memory_space<vmem>>
    %dma_start3A_71 = arith.constant 0 : i32
    %dma_start3A_72 = arith.constant 0 : i32
    %dma_start3A_73 = tpu.memref_slice %arg2[%dma_start3A_71, %dma_start3A_72] : memref<10000x128xbf16, #tpu.memory_space<hbm>> -> memref<10000x128xbf16, #tpu.memory_space<hbm>>
    tpu.enqueue_indirect_dma source(%dma_start3A_73 : memref<10000x128xbf16, #tpu.memory_space<hbm>>) target(%arg9 : memref<125x128xbf16, #tpu.memory_space<vmem>>) offsets(%dma_start3A_70 : memref<125xi32, #tpu.memory_space<vmem>>) semaphore(%arg12 : memref<!tpu.dma_semaphore, #tpu.memory_space<semaphore_mem>>)
    %scan3A = arith.constant 0 : i32
    %scan3A_74 = arith.constant 0 : i32
    %scan3A_75 = arith.constant 39 : i32
    %scan3A_76 = arith.addi %scan3A_74, %scan3A_75 : i32
    %scan3A_77 = arith.constant 1 : i32
    scf.for %scan3A_115 = %scan3A_74 to %scan3A_76 step %scan3A_77  : i32 {
      %mul3A_116 = arith.constant 2 : i32
      %mul3A_117 = arith.muli %mul3A_116, %scan3A_115 : i32
      %add3A_118 = arith.constant 1 : i32
      %add3A_119 = arith.addi %mul3A_117, %add3A_118 : i32
      %dma_wait3A_120 = arith.constant 0 : i32
      %dma_wait3A_121 = arith.constant 0 : i32
      %dma_wait3A_122 = tpu.memref_slice %arg2[%dma_wait3A_120, %dma_wait3A_121] : memref<10000x128xbf16, #tpu.memory_space<hbm>> -> memref<125x128xbf16, #tpu.memory_space<hbm>>
      %dma_wait3A_123 = arith.constant 0 : i32
      %dma_wait3A_124 = arith.constant 0 : i32
      %dma_wait3A_125 = tpu.memref_slice %arg2[%dma_wait3A_123, %dma_wait3A_124] : memref<10000x128xbf16, #tpu.memory_space<hbm>> -> memref<125x128xbf16, #tpu.memory_space<hbm>>
      tpu.wait_dma2 semaphore(%arg12 : memref<!tpu.dma_semaphore, #tpu.memory_space<semaphore_mem>>) src(%dma_wait3A_125 : memref<125x128xbf16, #tpu.memory_space<hbm>>) dst(%arg9 : memref<125x128xbf16, #tpu.memory_space<vmem>>)
      %dma_start3A_126 = arith.constant 0 : i32
      %dma_start3A_127 = tpu.memref_slice %arg7[%add3A_119, %dma_start3A_126] : memref<80x125xi32, #tpu.memory_space<vmem>> -> memref<1x125xi32, #tpu.memory_space<vmem>>
      %dma_start3A_128 = tpu.memref_squeeze %dma_start3A_127 : memref<1x125xi32, #tpu.memory_space<vmem>> -> memref<125xi32, #tpu.memory_space<vmem>>
      %dma_start3A_129 = arith.constant 0 : i32
      %dma_start3A_130 = arith.constant 0 : i32
      %dma_start3A_131 = tpu.memref_slice %arg10[%dma_start3A_129, %dma_start3A_130] : memref<10240x128xbf16, #tpu.memory_space<vmem_shared>> -> memref<10240x128xbf16, #tpu.memory_space<vmem_shared>>
      tpu.enqueue_indirect_dma source(%arg9 : memref<125x128xbf16, #tpu.memory_space<vmem>>) target(%dma_start3A_131 : memref<10240x128xbf16, #tpu.memory_space<vmem_shared>>) offsets(%dma_start3A_128 : memref<125xi32, #tpu.memory_space<vmem>>) semaphore(%arg14 : memref<!tpu.dma_semaphore, #tpu.memory_space<semaphore_mem>>) {add = true}
      %dma_wait3A_132 = arith.constant 0 : i32
      %dma_wait3A_133 = arith.constant 0 : i32
      %dma_wait3A_134 = tpu.memref_slice %arg2[%dma_wait3A_132, %dma_wait3A_133] : memref<10000x128xbf16, #tpu.memory_space<hbm>> -> memref<125x128xbf16, #tpu.memory_space<hbm>>
      %dma_wait3A_135 = arith.constant 0 : i32
      %dma_wait3A_136 = arith.constant 0 : i32
      %dma_wait3A_137 = tpu.memref_slice %arg2[%dma_wait3A_135, %dma_wait3A_136] : memref<10000x128xbf16, #tpu.memory_space<hbm>> -> memref<125x128xbf16, #tpu.memory_space<hbm>>
      tpu.wait_dma2 semaphore(%arg13 : memref<!tpu.dma_semaphore, #tpu.memory_space<semaphore_mem>>) src(%dma_wait3A_137 : memref<125x128xbf16, #tpu.memory_space<hbm>>) dst(%arg8 : memref<125x128xbf16, #tpu.memory_space<vmem>>)
      %add3A_138 = arith.constant 1 : i32
      %add3A_139 = arith.addi %add3A_119, %add3A_138 : i32
      %dma_start3A_140 = arith.constant 0 : i32
      %dma_start3A_141 = tpu.memref_slice %arg6[%add3A_139, %dma_start3A_140] : memref<80x125xi32, #tpu.memory_space<vmem>> -> memref<1x125xi32, #tpu.memory_space<vmem>>
      %dma_start3A_142 = tpu.memref_squeeze %dma_start3A_141 : memref<1x125xi32, #tpu.memory_space<vmem>> -> memref<125xi32, #tpu.memory_space<vmem>>
      %dma_start3A_143 = arith.constant 0 : i32
      %dma_start3A_144 = arith.constant 0 : i32
      %dma_start3A_145 = tpu.memref_slice %arg2[%dma_start3A_143, %dma_start3A_144] : memref<10000x128xbf16, #tpu.memory_space<hbm>> -> memref<10000x128xbf16, #tpu.memory_space<hbm>>
      tpu.enqueue_indirect_dma source(%dma_start3A_145 : memref<10000x128xbf16, #tpu.memory_space<hbm>>) target(%arg8 : memref<125x128xbf16, #tpu.memory_space<vmem>>) offsets(%dma_start3A_142 : memref<125xi32, #tpu.memory_space<vmem>>) semaphore(%arg11 : memref<!tpu.dma_semaphore, #tpu.memory_space<semaphore_mem>>)
      %add3A_146 = arith.constant 1 : i32
      %add3A_147 = arith.addi %add3A_119, %add3A_146 : i32
      %dma_wait3A_148 = arith.constant 0 : i32
      %dma_wait3A_149 = arith.constant 0 : i32
      %dma_wait3A_150 = tpu.memref_slice %arg2[%dma_wait3A_148, %dma_wait3A_149] : memref<10000x128xbf16, #tpu.memory_space<hbm>> -> memref<125x128xbf16, #tpu.memory_space<hbm>>
      %dma_wait3A_151 = arith.constant 0 : i32
      %dma_wait3A_152 = arith.constant 0 : i32
      %dma_wait3A_153 = tpu.memref_slice %arg2[%dma_wait3A_151, %dma_wait3A_152] : memref<10000x128xbf16, #tpu.memory_space<hbm>> -> memref<125x128xbf16, #tpu.memory_space<hbm>>
      tpu.wait_dma2 semaphore(%arg11 : memref<!tpu.dma_semaphore, #tpu.memory_space<semaphore_mem>>) src(%dma_wait3A_153 : memref<125x128xbf16, #tpu.memory_space<hbm>>) dst(%arg8 : memref<125x128xbf16, #tpu.memory_space<vmem>>)
      %dma_start3A_154 = arith.constant 0 : i32
      %dma_start3A_155 = tpu.memref_slice %arg7[%add3A_147, %dma_start3A_154] : memref<80x125xi32, #tpu.memory_space<vmem>> -> memref<1x125xi32, #tpu.memory_space<vmem>>
      %dma_start3A_156 = tpu.memref_squeeze %dma_start3A_155 : memref<1x125xi32, #tpu.memory_space<vmem>> -> memref<125xi32, #tpu.memory_space<vmem>>
      %dma_start3A_157 = arith.constant 0 : i32
      %dma_start3A_158 = arith.constant 0 : i32
      %dma_start3A_159 = tpu.memref_slice %arg10[%dma_start3A_157, %dma_start3A_158] : memref<10240x128xbf16, #tpu.memory_space<vmem_shared>> -> memref<10240x128xbf16, #tpu.memory_space<vmem_shared>>
      tpu.enqueue_indirect_dma source(%arg8 : memref<125x128xbf16, #tpu.memory_space<vmem>>) target(%dma_start3A_159 : memref<10240x128xbf16, #tpu.memory_space<vmem_shared>>) offsets(%dma_start3A_156 : memref<125xi32, #tpu.memory_space<vmem>>) semaphore(%arg13 : memref<!tpu.dma_semaphore, #tpu.memory_space<semaphore_mem>>) {add = true}
      %dma_wait3A_160 = arith.constant 0 : i32
      %dma_wait3A_161 = arith.constant 0 : i32
      %dma_wait3A_162 = tpu.memref_slice %arg2[%dma_wait3A_160, %dma_wait3A_161] : memref<10000x128xbf16, #tpu.memory_space<hbm>> -> memref<125x128xbf16, #tpu.memory_space<hbm>>
      %dma_wait3A_163 = arith.constant 0 : i32
      %dma_wait3A_164 = arith.constant 0 : i32
      %dma_wait3A_165 = tpu.memref_slice %arg2[%dma_wait3A_163, %dma_wait3A_164] : memref<10000x128xbf16, #tpu.memory_space<hbm>> -> memref<125x128xbf16, #tpu.memory_space<hbm>>
      tpu.wait_dma2 semaphore(%arg14 : memref<!tpu.dma_semaphore, #tpu.memory_space<semaphore_mem>>) src(%dma_wait3A_165 : memref<125x128xbf16, #tpu.memory_space<hbm>>) dst(%arg9 : memref<125x128xbf16, #tpu.memory_space<vmem>>)
      %add3A_166 = arith.constant 1 : i32
      %add3A_167 = arith.addi %add3A_147, %add3A_166 : i32
      %dma_start3A_168 = arith.constant 0 : i32
      %dma_start3A_169 = tpu.memref_slice %arg6[%add3A_167, %dma_start3A_168] : memref<80x125xi32, #tpu.memory_space<vmem>> -> memref<1x125xi32, #tpu.memory_space<vmem>>
      %dma_start3A_170 = tpu.memref_squeeze %dma_start3A_169 : memref<1x125xi32, #tpu.memory_space<vmem>> -> memref<125xi32, #tpu.memory_space<vmem>>
      %dma_start3A_171 = arith.constant 0 : i32
      %dma_start3A_172 = arith.constant 0 : i32
      %dma_start3A_173 = tpu.memref_slice %arg2[%dma_start3A_171, %dma_start3A_172] : memref<10000x128xbf16, #tpu.memory_space<hbm>> -> memref<10000x128xbf16, #tpu.memory_space<hbm>>
      tpu.enqueue_indirect_dma source(%dma_start3A_173 : memref<10000x128xbf16, #tpu.memory_space<hbm>>) target(%arg9 : memref<125x128xbf16, #tpu.memory_space<vmem>>) offsets(%dma_start3A_170 : memref<125xi32, #tpu.memory_space<vmem>>) semaphore(%arg12 : memref<!tpu.dma_semaphore, #tpu.memory_space<semaphore_mem>>)
    }
    %scan3A_78 = arith.constant 39 : i32
    %dma_wait3A_79 = arith.constant 0 : i32
    %dma_wait3A_80 = arith.constant 0 : i32
    %dma_wait3A_81 = tpu.memref_slice %arg2[%dma_wait3A_79, %dma_wait3A_80] : memref<10000x128xbf16, #tpu.memory_space<hbm>> -> memref<125x128xbf16, #tpu.memory_space<hbm>>
    %dma_wait3A_82 = arith.constant 0 : i32
    %dma_wait3A_83 = arith.constant 0 : i32
    %dma_wait3A_84 = tpu.memref_slice %arg2[%dma_wait3A_82, %dma_wait3A_83] : memref<10000x128xbf16, #tpu.memory_space<hbm>> -> memref<125x128xbf16, #tpu.memory_space<hbm>>
    tpu.wait_dma2 semaphore(%arg12 : memref<!tpu.dma_semaphore, #tpu.memory_space<semaphore_mem>>) src(%dma_wait3A_84 : memref<125x128xbf16, #tpu.memory_space<hbm>>) dst(%arg9 : memref<125x128xbf16, #tpu.memory_space<vmem>>)
    %dma_start3A_85 = arith.constant 79 : i32
    %dma_start3A_86 = arith.constant 0 : i32
    %dma_start3A_87 = tpu.memref_slice %arg7[%dma_start3A_85, %dma_start3A_86] : memref<80x125xi32, #tpu.memory_space<vmem>> -> memref<1x125xi32, #tpu.memory_space<vmem>>
    %dma_start3A_88 = tpu.memref_squeeze %dma_start3A_87 : memref<1x125xi32, #tpu.memory_space<vmem>> -> memref<125xi32, #tpu.memory_space<vmem>>
    %dma_start3A_89 = arith.constant 0 : i32
    %dma_start3A_90 = arith.constant 0 : i32
    %dma_start3A_91 = tpu.memref_slice %arg10[%dma_start3A_89, %dma_start3A_90] : memref<10240x128xbf16, #tpu.memory_space<vmem_shared>> -> memref<10240x128xbf16, #tpu.memory_space<vmem_shared>>
    tpu.enqueue_indirect_dma source(%arg9 : memref<125x128xbf16, #tpu.memory_space<vmem>>) target(%dma_start3A_91 : memref<10240x128xbf16, #tpu.memory_space<vmem_shared>>) offsets(%dma_start3A_88 : memref<125xi32, #tpu.memory_space<vmem>>) semaphore(%arg14 : memref<!tpu.dma_semaphore, #tpu.memory_space<semaphore_mem>>) {add = true}
    %dma_wait3A_92 = arith.constant 0 : i32
    %dma_wait3A_93 = arith.constant 0 : i32
    %dma_wait3A_94 = tpu.memref_slice %arg2[%dma_wait3A_92, %dma_wait3A_93] : memref<10000x128xbf16, #tpu.memory_space<hbm>> -> memref<125x128xbf16, #tpu.memory_space<hbm>>
    %dma_wait3A_95 = arith.constant 0 : i32
    %dma_wait3A_96 = arith.constant 0 : i32
    %dma_wait3A_97 = tpu.memref_slice %arg2[%dma_wait3A_95, %dma_wait3A_96] : memref<10000x128xbf16, #tpu.memory_space<hbm>> -> memref<125x128xbf16, #tpu.memory_space<hbm>>
    tpu.wait_dma2 semaphore(%arg13 : memref<!tpu.dma_semaphore, #tpu.memory_space<semaphore_mem>>) src(%dma_wait3A_97 : memref<125x128xbf16, #tpu.memory_space<hbm>>) dst(%arg8 : memref<125x128xbf16, #tpu.memory_space<vmem>>)
    %dma_wait3A_98 = arith.constant 0 : i32
    %dma_wait3A_99 = arith.constant 0 : i32
    %dma_wait3A_100 = tpu.memref_slice %arg2[%dma_wait3A_98, %dma_wait3A_99] : memref<10000x128xbf16, #tpu.memory_space<hbm>> -> memref<125x128xbf16, #tpu.memory_space<hbm>>
    %dma_wait3A_101 = arith.constant 0 : i32
    %dma_wait3A_102 = arith.constant 0 : i32
    %dma_wait3A_103 = tpu.memref_slice %arg2[%dma_wait3A_101, %dma_wait3A_102] : memref<10000x128xbf16, #tpu.memory_space<hbm>> -> memref<125x128xbf16, #tpu.memory_space<hbm>>
    tpu.wait_dma2 semaphore(%arg14 : memref<!tpu.dma_semaphore, #tpu.memory_space<semaphore_mem>>) src(%dma_wait3A_103 : memref<125x128xbf16, #tpu.memory_space<hbm>>) dst(%arg9 : memref<125x128xbf16, #tpu.memory_space<vmem>>)
    %barrier3A_104 = arith.constant 0 : index
    tpu.barrier barrier_id(%barrier3A_104)
    %dma_start3A_105 = arith.constant 0 : i32
    %dma_start3A_106 = tpu.memref_slice %arg5[%arg0, %mul3A_2, %dma_start3A_105] : memref<2x10240x128xbf16, #tpu.memory_space<hbm>> -> memref<1x640x128xbf16, #tpu.memory_space<hbm>>
    %dma_start3A_107 = tpu.memref_squeeze %dma_start3A_106 : memref<1x640x128xbf16, #tpu.memory_space<hbm>> -> memref<640x128xbf16, #tpu.memory_space<hbm>>
    %dma_start3A_108 = arith.constant 0 : i32
    %dma_start3A_109 = tpu.memref_slice %arg10[%mul3A_2, %dma_start3A_108] : memref<10240x128xbf16, #tpu.memory_space<vmem_shared>> -> memref<640x128xbf16, #tpu.memory_space<vmem_shared>>
    tpu.enqueue_dma source(%dma_start3A_109 : memref<640x128xbf16, #tpu.memory_space<vmem_shared>>) target(%dma_start3A_107 : memref<640x128xbf16, #tpu.memory_space<hbm>>) target_semaphore(%arg11 : memref<!tpu.dma_semaphore, #tpu.memory_space<semaphore_mem>>)
    %dma_wait3A_110 = arith.constant 0 : i32
    %dma_wait3A_111 = tpu.memref_slice %arg5[%arg0, %mul3A_2, %dma_wait3A_110] : memref<2x10240x128xbf16, #tpu.memory_space<hbm>> -> memref<1x640x128xbf16, #tpu.memory_space<hbm>>
    %dma_wait3A_112 = tpu.memref_squeeze %dma_wait3A_111 : memref<1x640x128xbf16, #tpu.memory_space<hbm>> -> memref<640x128xbf16, #tpu.memory_space<hbm>>
    %dma_wait3A_113 = arith.constant 0 : i32
    %dma_wait3A_114 = tpu.memref_slice %arg10[%mul3A_2, %dma_wait3A_113] : memref<10240x128xbf16, #tpu.memory_space<vmem_shared>> -> memref<640x128xbf16, #tpu.memory_space<vmem_shared>>
    tpu.wait_dma2 semaphore(%arg11 : memref<!tpu.dma_semaphore, #tpu.memory_space<semaphore_mem>>) src(%dma_wait3A_114 : memref<640x128xbf16, #tpu.memory_space<vmem_shared>>) dst(%dma_wait3A_112 : memref<640x128xbf16, #tpu.memory_space<hbm>>)
    return
  }
}

module attributes {stable_mosaic.version = 14 : i64} {
  func.func @_tc_layer1_body(%arg0: i32, %arg1: memref<2000x128xf32, #tpu.memory_space<vmem>>, %arg2: memref<2x2000x128xbf16, #tpu.memory_space<vmem>>, %arg3: memref<2x2000x8xf32, #tpu.memory_space<vmem>>, %arg4: memref<128x128xf32, #tpu.memory_space<vmem>>, %arg5: memref<128x128xf32, #tpu.memory_space<vmem>>, %arg6: memref<1x128xf32, #tpu.memory_space<vmem>>, %arg7: memref<2000x128xf32, #tpu.memory_space<vmem>>, %arg8: memref<2000x128xbf16, #tpu.memory_space<vmem>>, %arg9: memref<2000x8xf32, #tpu.memory_space<vmem>>) attributes {dimension_semantics = [#tpu.dimension_semantics<arbitrary>], iteration_bounds = array<i64: 5>, scalar_prefetch = 0 : i64, scratch_operands = 0 : i64, tpu.core_type = #tpu.core_type<tc>, window_params = [{transform_indices = @transform_0, window_bounds = array<i64: 2000, 128>}, {transform_indices = @transform_1, window_bounds = array<i64: 2, 2000, 128>}, {transform_indices = @transform_2, window_bounds = array<i64: 2, 2000, 8>}, {pipeline_mode = #tpu.pipeline_mode<synchronous>, transform_indices = @transform_3, window_bounds = array<i64: 128, 128>}, {pipeline_mode = #tpu.pipeline_mode<synchronous>, transform_indices = @transform_4, window_bounds = array<i64: 128, 128>}, {pipeline_mode = #tpu.pipeline_mode<synchronous>, transform_indices = @transform_5, window_bounds = array<i64: 1, 128>}, {transform_indices = @transform_6, window_bounds = array<i64: 2000, 128>}, {transform_indices = @transform_7, window_bounds = array<i64: 2000, 128>}, {transform_indices = @transform_8, window_bounds = array<i64: 2000, 8>}]} {
    %get3A = arith.constant 0 : index
    %get3A_0 = arith.constant 0 : index
    %get3A_1 = arith.constant 0 : index
    %get3A_2 = vector.load %arg3[%get3A, %get3A_0, %get3A_1] : memref<2x2000x8xf32, #tpu.memory_space<vmem>>, vector<1x2000x1xf32>
    %get3A_3 = vector.shape_cast %get3A_2 : vector<1x2000x1xf32> to vector<2000xf32>
    %get3A_4 = arith.constant 1 : index
    %get3A_5 = arith.constant 0 : index
    %get3A_6 = arith.constant 0 : index
    %get3A_7 = vector.load %arg3[%get3A_4, %get3A_5, %get3A_6] : memref<2x2000x8xf32, #tpu.memory_space<vmem>>, vector<1x2000x1xf32>
    %get3A_8 = vector.shape_cast %get3A_7 : vector<1x2000x1xf32> to vector<2000xf32>
    %add3A = arith.addf %get3A_3, %get3A_8 : vector<2000xf32>
    %max3A = arith.constant 1.000000e+00 : f32
    %max3A_9 = vector.broadcast %max3A : f32 to vector<2000xf32>
    %max3A_10 = arith.maximumf %add3A, %max3A_9 : vector<2000xf32>
    %div3A = arith.constant 1.000000e+00 : f32
    %div3A_11 = vector.broadcast %div3A : f32 to vector<2000xf32>
    %div3A_12 = arith.divf %div3A_11, %max3A_10 : vector<2000xf32>
    %get3A_13 = arith.constant 0 : index
    %get3A_14 = arith.constant 0 : index
    %get3A_15 = arith.constant 0 : index
    %get3A_16 = vector.load %arg2[%get3A_13, %get3A_14, %get3A_15] : memref<2x2000x128xbf16, #tpu.memory_space<vmem>>, vector<1x2000x128xbf16>
    %get3A_17 = vector.shape_cast %get3A_16 : vector<1x2000x128xbf16> to vector<2000x128xbf16>
    %convert_element_type3A = arith.extf %get3A_17 : vector<2000x128xbf16> to vector<2000x128xf32>
    %get3A_18 = arith.constant 1 : index
    %get3A_19 = arith.constant 0 : index
    %get3A_20 = arith.constant 0 : index
    %get3A_21 = vector.load %arg2[%get3A_18, %get3A_19, %get3A_20] : memref<2x2000x128xbf16, #tpu.memory_space<vmem>>, vector<1x2000x128xbf16>
    %get3A_22 = vector.shape_cast %get3A_21 : vector<1x2000x128xbf16> to vector<2000x128xbf16>
    %convert_element_type3A_23 = arith.extf %get3A_22 : vector<2000x128xbf16> to vector<2000x128xf32>
    %add3A_24 = arith.addf %convert_element_type3A, %convert_element_type3A_23 : vector<2000x128xf32>
    %broadcast_in_dim3A = vector.shape_cast %div3A_12 : vector<2000xf32> to vector<2000x1xf32>
    %mul3A = vector.broadcast %broadcast_in_dim3A : vector<2000x1xf32> to vector<2000x128xf32>
    %mul3A_25 = arith.mulf %add3A_24, %mul3A : vector<2000x128xf32>
    %get3A_26 = arith.constant 0 : index
    %get3A_27 = arith.constant 0 : index
    %get3A_28 = vector.load %arg1[%get3A_26, %get3A_27] : memref<2000x128xf32, #tpu.memory_space<vmem>>, vector<2000x128xf32>
    %get3A_29 = arith.constant 0 : index
    %get3A_30 = arith.constant 0 : index
    %get3A_31 = vector.load %arg4[%get3A_29, %get3A_30] : memref<128x128xf32, #tpu.memory_space<vmem>>, vector<128x128xf32>
    %dot_general3A = arith.constant dense<0.000000e+00> : vector<2000x128xf32>
    %dot_general3A_32 = tpu.matmul %get3A_28, %get3A_31, %dot_general3A {dimension_numbers = #tpu.dot_dimension_numbers<[1], [0], [0], [1], [0, 0, 1, 1], [], []>, transpose_lhs_hint = false} : vector<2000x128xf32>, vector<128x128xf32>, vector<2000x128xf32> -> vector<2000x128xf32>
    %get3A_33 = arith.constant 0 : index
    %get3A_34 = arith.constant 0 : index
    %get3A_35 = vector.load %arg5[%get3A_33, %get3A_34] : memref<128x128xf32, #tpu.memory_space<vmem>>, vector<128x128xf32>
    %dot_general3A_36 = arith.constant dense<0.000000e+00> : vector<2000x128xf32>
    %dot_general3A_37 = tpu.matmul %mul3A_25, %get3A_35, %dot_general3A_36 {dimension_numbers = #tpu.dot_dimension_numbers<[1], [0], [0], [1], [0, 0, 1, 1], [], []>, transpose_lhs_hint = false} : vector<2000x128xf32>, vector<128x128xf32>, vector<2000x128xf32> -> vector<2000x128xf32>
    %add3A_38 = arith.addf %dot_general3A_32, %dot_general3A_37 : vector<2000x128xf32>
    %get3A_39 = arith.constant 0 : index
    %get3A_40 = arith.constant 0 : index
    %get3A_41 = vector.load %arg6[%get3A_39, %get3A_40] : memref<1x128xf32, #tpu.memory_space<vmem>>, vector<1x128xf32>
    %add3A_42 = vector.broadcast %get3A_41 : vector<1x128xf32> to vector<2000x128xf32>
    %add3A_43 = arith.addf %add3A_38, %add3A_42 : vector<2000x128xf32>
    %max3A_44 = arith.constant 0.000000e+00 : f32
    %max3A_45 = vector.broadcast %max3A_44 : f32 to vector<2000x128xf32>
    %max3A_46 = arith.maximumf %add3A_43, %max3A_45 : vector<2000x128xf32>
    %swap3A = arith.constant 0 : index
    %swap3A_47 = arith.constant 0 : index
    %swap3A_48 = vector.load %arg7[%swap3A, %swap3A_47] : memref<2000x128xf32, #tpu.memory_space<vmem>>, vector<2000x128xf32>
    tpu.vector_store %arg7[%swap3A, %swap3A_47], %max3A_46 {strides = array<i32>} : memref<2000x128xf32, #tpu.memory_space<vmem>>, vector<2000x128xf32>,
    %convert_element_type3A_49 = arith.truncf %max3A_46 : vector<2000x128xf32> to vector<2000x128xbf16>
    %swap3A_50 = arith.constant 0 : index
    %swap3A_51 = arith.constant 0 : index
    %swap3A_52 = vector.load %arg8[%swap3A_50, %swap3A_51] : memref<2000x128xbf16, #tpu.memory_space<vmem>>, vector<2000x128xbf16>
    tpu.vector_store %arg8[%swap3A_50, %swap3A_51], %convert_element_type3A_49 {strides = array<i32>} : memref<2000x128xbf16, #tpu.memory_space<vmem>>, vector<2000x128xbf16>,
    %broadcast_in_dim3A_53 = vector.shape_cast %div3A_12 : vector<2000xf32> to vector<2000x1xf32>
    %broadcast_in_dim3A_54 = vector.shape_cast %broadcast_in_dim3A_53 : vector<2000x1xf32> to vector<2000x1xf32>
    %broadcast_in_dim3A_55 = vector.broadcast %broadcast_in_dim3A_54 : vector<2000x1xf32> to vector<2000x8xf32>
    %swap3A_56 = arith.constant 0 : index
    %swap3A_57 = arith.constant 0 : index
    %swap3A_58 = vector.load %arg9[%swap3A_56, %swap3A_57] : memref<2000x8xf32, #tpu.memory_space<vmem>>, vector<2000x8xf32>
    tpu.vector_store %arg9[%swap3A_56, %swap3A_57], %broadcast_in_dim3A_55 {strides = array<i32>} : memref<2000x8xf32, #tpu.memory_space<vmem>>, vector<2000x8xf32>,
    return
  }
  func.func @transform_0(%arg0: i32) -> (i32, i32) {
    %c0_i32 = arith.constant 0 : i32
    %c0_i32_0 = arith.constant 0 : i32
    return %arg0, %c0_i32 : i32, i32
  }
  func.func @transform_1(%arg0: i32) -> (i32, i32, i32) {
    %c0_i32 = arith.constant 0 : i32
    %c0_i32_0 = arith.constant 0 : i32
    %c0_i32_1 = arith.constant 0 : i32
    return %c0_i32, %arg0, %c0_i32_0 : i32, i32, i32
  }
  func.func @transform_2(%arg0: i32) -> (i32, i32, i32) {
    %c0_i32 = arith.constant 0 : i32
    %c0_i32_0 = arith.constant 0 : i32
    %c0_i32_1 = arith.constant 0 : i32
    return %c0_i32, %arg0, %c0_i32_0 : i32, i32, i32
  }
  func.func @transform_3(%arg0: i32) -> (i32, i32) {
    %c0_i32 = arith.constant 0 : i32
    %c0_i32_0 = arith.constant 0 : i32
    %c0_i32_1 = arith.constant 0 : i32
    return %c0_i32, %c0_i32_0 : i32, i32
  }
  func.func @transform_4(%arg0: i32) -> (i32, i32) {
    %c0_i32 = arith.constant 0 : i32
    %c0_i32_0 = arith.constant 0 : i32
    %c0_i32_1 = arith.constant 0 : i32
    return %c0_i32, %c0_i32_0 : i32, i32
  }
  func.func @transform_5(%arg0: i32) -> (i32, i32) {
    %c0_i32 = arith.constant 0 : i32
    %c0_i32_0 = arith.constant 0 : i32
    %c0_i32_1 = arith.constant 0 : i32
    return %c0_i32, %c0_i32_0 : i32, i32
  }
  func.func @transform_6(%arg0: i32) -> (i32, i32) {
    %c0_i32 = arith.constant 0 : i32
    %c0_i32_0 = arith.constant 0 : i32
    return %arg0, %c0_i32 : i32, i32
  }
  func.func @transform_7(%arg0: i32) -> (i32, i32) {
    %c0_i32 = arith.constant 0 : i32
    %c0_i32_0 = arith.constant 0 : i32
    return %arg0, %c0_i32 : i32, i32
  }
  func.func @transform_8(%arg0: i32) -> (i32, i32) {
    %c0_i32 = arith.constant 0 : i32
    %c0_i32_0 = arith.constant 0 : i32
    return %arg0, %c0_i32 : i32, i32
  }
}

module attributes {stable_mosaic.version = 14 : i64} {
  func.func @_tc_layer2_body(%arg0: i32, %arg1: memref<2000x128xf32, #tpu.memory_space<vmem>>, %arg2: memref<2x2000x128xbf16, #tpu.memory_space<vmem>>, %arg3: memref<2000x8xf32, #tpu.memory_space<vmem>>, %arg4: memref<128x128xf32, #tpu.memory_space<vmem>>, %arg5: memref<128x128xf32, #tpu.memory_space<vmem>>, %arg6: memref<1x128xf32, #tpu.memory_space<vmem>>, %arg7: memref<2000x128xf32, #tpu.memory_space<vmem>>) attributes {dimension_semantics = [#tpu.dimension_semantics<arbitrary>], iteration_bounds = array<i64: 5>, scalar_prefetch = 0 : i64, scratch_operands = 0 : i64, tpu.core_type = #tpu.core_type<tc>, window_params = [{transform_indices = @transform_0, window_bounds = array<i64: 2000, 128>}, {transform_indices = @transform_1, window_bounds = array<i64: 2, 2000, 128>}, {transform_indices = @transform_2, window_bounds = array<i64: 2000, 8>}, {pipeline_mode = #tpu.pipeline_mode<synchronous>, transform_indices = @transform_3, window_bounds = array<i64: 128, 128>}, {pipeline_mode = #tpu.pipeline_mode<synchronous>, transform_indices = @transform_4, window_bounds = array<i64: 128, 128>}, {pipeline_mode = #tpu.pipeline_mode<synchronous>, transform_indices = @transform_5, window_bounds = array<i64: 1, 128>}, {transform_indices = @transform_6, window_bounds = array<i64: 2000, 128>}]} {
    %get3A = arith.constant 0 : index
    %get3A_0 = arith.constant 0 : index
    %get3A_1 = vector.load %arg3[%get3A, %get3A_0] : memref<2000x8xf32, #tpu.memory_space<vmem>>, vector<2000x1xf32>
    %get3A_2 = vector.shape_cast %get3A_1 : vector<2000x1xf32> to vector<2000xf32>
    %get3A_3 = arith.constant 0 : index
    %get3A_4 = arith.constant 0 : index
    %get3A_5 = arith.constant 0 : index
    %get3A_6 = vector.load %arg2[%get3A_3, %get3A_4, %get3A_5] : memref<2x2000x128xbf16, #tpu.memory_space<vmem>>, vector<1x2000x128xbf16>
    %get3A_7 = vector.shape_cast %get3A_6 : vector<1x2000x128xbf16> to vector<2000x128xbf16>
    %convert_element_type3A = arith.extf %get3A_7 : vector<2000x128xbf16> to vector<2000x128xf32>
    %get3A_8 = arith.constant 1 : index
    %get3A_9 = arith.constant 0 : index
    %get3A_10 = arith.constant 0 : index
    %get3A_11 = vector.load %arg2[%get3A_8, %get3A_9, %get3A_10] : memref<2x2000x128xbf16, #tpu.memory_space<vmem>>, vector<1x2000x128xbf16>
    %get3A_12 = vector.shape_cast %get3A_11 : vector<1x2000x128xbf16> to vector<2000x128xbf16>
    %convert_element_type3A_13 = arith.extf %get3A_12 : vector<2000x128xbf16> to vector<2000x128xf32>
    %add3A = arith.addf %convert_element_type3A, %convert_element_type3A_13 : vector<2000x128xf32>
    %broadcast_in_dim3A = vector.shape_cast %get3A_2 : vector<2000xf32> to vector<2000x1xf32>
    %mul3A = vector.broadcast %broadcast_in_dim3A : vector<2000x1xf32> to vector<2000x128xf32>
    %mul3A_14 = arith.mulf %add3A, %mul3A : vector<2000x128xf32>
    %get3A_15 = arith.constant 0 : index
    %get3A_16 = arith.constant 0 : index
    %get3A_17 = vector.load %arg1[%get3A_15, %get3A_16] : memref<2000x128xf32, #tpu.memory_space<vmem>>, vector<2000x128xf32>
    %get3A_18 = arith.constant 0 : index
    %get3A_19 = arith.constant 0 : index
    %get3A_20 = vector.load %arg4[%get3A_18, %get3A_19] : memref<128x128xf32, #tpu.memory_space<vmem>>, vector<128x128xf32>
    %dot_general3A = arith.constant dense<0.000000e+00> : vector<2000x128xf32>
    %dot_general3A_21 = tpu.matmul %get3A_17, %get3A_20, %dot_general3A {dimension_numbers = #tpu.dot_dimension_numbers<[1], [0], [0], [1], [0, 0, 1, 1], [], []>, transpose_lhs_hint = false} : vector<2000x128xf32>, vector<128x128xf32>, vector<2000x128xf32> -> vector<2000x128xf32>
    %get3A_22 = arith.constant 0 : index
    %get3A_23 = arith.constant 0 : index
    %get3A_24 = vector.load %arg5[%get3A_22, %get3A_23] : memref<128x128xf32, #tpu.memory_space<vmem>>, vector<128x128xf32>
    %dot_general3A_25 = arith.constant dense<0.000000e+00> : vector<2000x128xf32>
    %dot_general3A_26 = tpu.matmul %mul3A_14, %get3A_24, %dot_general3A_25 {dimension_numbers = #tpu.dot_dimension_numbers<[1], [0], [0], [1], [0, 0, 1, 1], [], []>, transpose_lhs_hint = false} : vector<2000x128xf32>, vector<128x128xf32>, vector<2000x128xf32> -> vector<2000x128xf32>
    %add3A_27 = arith.addf %dot_general3A_21, %dot_general3A_26 : vector<2000x128xf32>
    %get3A_28 = arith.constant 0 : index
    %get3A_29 = arith.constant 0 : index
    %get3A_30 = vector.load %arg6[%get3A_28, %get3A_29] : memref<1x128xf32, #tpu.memory_space<vmem>>, vector<1x128xf32>
    %add3A_31 = vector.broadcast %get3A_30 : vector<1x128xf32> to vector<2000x128xf32>
    %add3A_32 = arith.addf %add3A_27, %add3A_31 : vector<2000x128xf32>
    %swap3A = arith.constant 0 : index
    %swap3A_33 = arith.constant 0 : index
    %swap3A_34 = vector.load %arg7[%swap3A, %swap3A_33] : memref<2000x128xf32, #tpu.memory_space<vmem>>, vector<2000x128xf32>
    tpu.vector_store %arg7[%swap3A, %swap3A_33], %add3A_32 {strides = array<i32>} : memref<2000x128xf32, #tpu.memory_space<vmem>>, vector<2000x128xf32>,
    return
  }
  func.func @transform_0(%arg0: i32) -> (i32, i32) {
    %c0_i32 = arith.constant 0 : i32
    %c0_i32_0 = arith.constant 0 : i32
    return %arg0, %c0_i32 : i32, i32
  }
  func.func @transform_1(%arg0: i32) -> (i32, i32, i32) {
    %c0_i32 = arith.constant 0 : i32
    %c0_i32_0 = arith.constant 0 : i32
    %c0_i32_1 = arith.constant 0 : i32
    return %c0_i32, %arg0, %c0_i32_0 : i32, i32, i32
  }
  func.func @transform_2(%arg0: i32) -> (i32, i32) {
    %c0_i32 = arith.constant 0 : i32
    %c0_i32_0 = arith.constant 0 : i32
    return %arg0, %c0_i32 : i32, i32
  }
  func.func @transform_3(%arg0: i32) -> (i32, i32) {
    %c0_i32 = arith.constant 0 : i32
    %c0_i32_0 = arith.constant 0 : i32
    %c0_i32_1 = arith.constant 0 : i32
    return %c0_i32, %c0_i32_0 : i32, i32
  }
  func.func @transform_4(%arg0: i32) -> (i32, i32) {
    %c0_i32 = arith.constant 0 : i32
    %c0_i32_0 = arith.constant 0 : i32
    %c0_i32_1 = arith.constant 0 : i32
    return %c0_i32, %c0_i32_0 : i32, i32
  }
  func.func @transform_5(%arg0: i32) -> (i32, i32) {
    %c0_i32 = arith.constant 0 : i32
    %c0_i32_0 = arith.constant 0 : i32
    %c0_i32_1 = arith.constant 0 : i32
    return %c0_i32, %c0_i32_0 : i32, i32
  }
  func.func @transform_6(%arg0: i32) -> (i32, i32) {
    %c0_i32 = arith.constant 0 : i32
    %c0_i32_0 = arith.constant 0 : i32
    return %arg0, %c0_i32 : i32, i32
  }
}

</mosaic_0001>

<sc_bundles>
// kernel: kernel.6.cloned.1.call-start
scs
__scs_entry_jumppad:
0x0: {  	(pc) =	sbr.rel $0x88, $3  }
0x1: {  	(tag) =	ssettag $0x0;
	lr =	simm.s32 $0x1  }
0x2: {  	[smem:$0x3F99] =	sst lr;
	_ =	strace $0xD0000000  }
0x3: {  	_ = 	snop  }
0x4: {  	_ = 	snop  }
0x5: {  	_ = 	snop  }
0x6: {  	_ = 	snop  }
0x7: {  	_ = 	snop  }
__scs_overlays_trampoline_lowered:
0x8: {  	[smem:$0x3FA8] =	sst s0  }
0x9: {  	[smem:$0x3FA9] =	sst s1  }
0xa: {  	[smem:$0x3FAA] =	sst s2  }
0xb: {  	[smem:$0x3FAB] =	sst s3  }
0xc: {  	[smem:$0x3FAC] =	sst s4  }
0xd: {  	[smem:$0x3FAD] =	sst s5  }
0xe: {  	[smem:$0x3FAE] =	sst s6  }
0xf: {  	[smem:$0x3FAF] =	sst s7  }
0x10: {  	[smem:$0x3FB0] =	sst s8  }
0x11: {  	[smem:$0x3FB1] =	sst s9;
	s0 =	simm.s32 @!p0 $0x0  }
0x12: {  	s1 =	sld [smem:$0x3F97];
	s0 =	simm.s32 @p0 $0x1  }
0x13: {  	[smem:$0x3FB2] =	sst s0;
	s0 =	simm.s32 @!p1 $0x0  }
0x14: {  	s2 =	sld [smem:$0x3F96];
	s0 =	simm.s32 @p1 $0x1  }
0x15: {  	[smem:$0x3FB3] =	sst s0;
	s0 =	simm.s32 @!p2 $0x0  }
0x16: {  	s3 =	sld [smem:$0x3FDB];
	s0 =	simm.s32 @p2 $0x1  }
0x17: {  	s4 =	simm.s32 $0x1BF5;
	[smem:$0x3FB5] =	sst s0  }
0x18: {  	s0 =	sld [smem:$0x3F98];
	_ =	swait.ge [sflag:s4], $0x0  }
0x19: {  	s7 =	sld [smem:$0x3F99]  }
0x1a: {  	s8 =	sadd.s32 $0xFFFFE003, lr  }
0x1b: {  	s9 =	sadd.s32 $0xFFFFFEF7, lr;
	s5 =	simm.s32 $0xFFFFFFFF;
	p2 =	slt.u32 s8, $0xFFFFF086  }
0x1c: {  	p1 =	slt.u32 s9, $0xF7A;
	s5 =	simm.s32 @!p2 $0x0  }
0x1d: {  	s5 =	simm.s32 @p1 $0x1;
	p0 =	seq.s32 s7, s2  }
0x1e: {  	s7 =	smul.u32 @!p0 $0xF7A, s2;
	p2 =	seq.s32 @!p0 s5, $0x0  }
0x1f: {  	s9 =	smul.u32 $0xF7A, s1;
	s8 =	simm.s32 @!p0 $0x1BF5;
	p2 =	por !p2, p0  }
0x20: {  	[sflag:s8] =	ssyncset.s32 @!p0 $0xFFFFF086;
	s6 =	sadd.s32 @!p0 s3, s7;
	s7 =	simm.s32 @!p0 $0x108  }
0x21: {  	s3 =	sadd.s32 s3, s9;
	s6 =	sadd.s32 @!p0 $0x88, s6;
	s7 =	simm.s32 @p2 $0x1082  }
0x22: {  	[simem:s7], [sflag:s8] =	dma.local @!p0 [hbm:s6], $0xF7A  }
0x23: {  	s9 =	sor.u32 $0xD0000000, s2;
	s6 =	simm.s32 $0x108;
	_ =	swait.ge @!p0 [sflag:s8], $0x0  }
0x24: {  	s3 =	sadd.s32 $0x88, s3;
	s6 =	simm.s32 @!p1 $0x1082;
	[sflag:s4] =	ssyncset.s32 $0xFFFFF086  }
0x25: {  	[simem:s6], [sflag:s4] =	dma.local [hbm:s3], $0xF7A  }
0x26: {  	[smem:$0x3F99] =	sst s1;
	(tag) =	ssettag s2;
	_ =	strace s9  }
0x27: {  	s1 =	sld [smem:$0x3FA9]  }
0x28: {  	s2 =	sld [smem:$0x3FAA]  }
0x29: {  	s4 =	sld [smem:$0x3FAC]  }
0x2a: {  	p0 =	seq.s32 s5, $0x0;
	s5 =	sld [smem:$0x3FAD]  }
0x2b: {  	s6 =	sld [smem:$0x3FAE]  }
0x2c: {  	s7 =	sld [smem:$0x3FAF]  }
0x2d: {  	s3 =	simm.s32 $0x108;
	s8 =	sld [smem:$0x3FB0]  }
0x2e: {  	s3 =	simm.s32 @!p0 $0x1082;
	s9 =	sld [smem:$0x3FB1]  }
0x2f: {  	lr =	sadd.s32 s0, s3;
	s0 =	sld [smem:$0x3FA8]  }
0x30: {  	s3 =	sld [smem:$0x3FAB]  }
0x31: {  	[smem:$0x3FB4] =	sst s10  }
0x32: {  	s10 =	sld [smem:$0x3FB2];
	_ =	sdelay $0x3  }
0x33: {  	p0 =	seq.s32 s10, $0x1;
	s10 =	sld [smem:$0x3FB4];
	_ =	sdelay $0x3  }
0x34: {  	[smem:$0x3FB4] =	sst s10  }
0x35: {  	s10 =	sld [smem:$0x3FB3];
	_ =	sdelay $0x3  }
0x36: {  	p1 =	seq.s32 s10, $0x1;
	s10 =	sld [smem:$0x3FB4];
	_ =	sdelay $0x3  }
0x37: {  	[smem:$0x3FB4] =	sst s10  }
0x38: {  	s10 =	sld [smem:$0x3FB5]  }
0x39: {  	_ = 	snop;
	(pc) =	sbr.ind lr, $3  }
0x3a: {  	_ = 	snop  }
0x3b: {  	_ = 	snop  }
0x3c: {  	p2 =	seq.s32 s10, $0x1;
	s10 =	sld [smem:$0x3FB4]  }
0x3d: {  	_ =	shalt  }
0x3e: {  	_ =	shalt  }
0x3f: {  	_ =	shalt  }
0x40: {  	_ =	shalt  }
0x41: {  	_ =	shalt  }
0x42: {  	_ =	shalt  }
0x43: {  	_ =	shalt  }
0x44: {  	_ =	shalt  }
0x45: {  	_ =	shalt  }
0x46: {  	_ =	shalt  }
0x47: {  	_ =	shalt  }
0x48: {  	_ =	shalt  }
0x49: {  	_ =	shalt  }
0x4a: {  	_ =	shalt  }
0x4b: {  	_ =	shalt  }
0x4c: {  	_ =	shalt  }
0x4d: {  	_ =	shalt  }
0x4e: {  	_ =	shalt  }
0x4f: {  	_ =	shalt  }
0x50: {  	_ =	shalt  }
0x51: {  	_ =	shalt  }
0x52: {  	_ =	shalt  }
0x53: {  	_ =	shalt  }
0x54: {  	_ =	shalt  }
0x55: {  	_ =	shalt  }
0x56: {  	_ =	shalt  }
0x57: {  	_ =	shalt  }
0x58: {  	_ =	shalt  }
0x59: {  	_ =	shalt  }
0x5a: {  	_ =	shalt  }
0x5b: {  	_ =	shalt  }
0x5c: {  	_ =	shalt  }
0x5d: {  	_ =	shalt  }
0x5e: {  	_ =	shalt  }
0x5f: {  	_ =	shalt  }
0x60: {  	_ =	shalt  }
0x61: {  	_ =	shalt  }
0x62: {  	_ =	shalt  }
0x63: {  	_ =	shalt  }
0x64: {  	_ =	shalt  }
0x65: {  	_ =	shalt  }
0x66: {  	_ =	shalt  }
0x67: {  	_ =	shalt  }
0x68: {  	_ =	shalt  }
0x69: {  	_ =	shalt  }
0x6a: {  	_ =	shalt  }
0x6b: {  	_ =	shalt  }
0x6c: {  	_ =	shalt  }
0x6d: {  	_ =	shalt  }
0x6e: {  	_ =	shalt  }
0x6f: {  	_ =	shalt  }
0x70: {  	_ =	shalt  }
0x71: {  	_ =	shalt  }
0x72: {  	_ =	shalt  }
0x73: {  	_ =	shalt  }
0x74: {  	_ =	shalt  }
0x75: {  	_ =	shalt  }
0x76: {  	_ =	shalt  }
0x77: {  	_ =	shalt  }
0x78: {  	_ =	shalt  }
0x79: {  	_ =	shalt  }
0x7a: {  	_ =	shalt  }
0x7b: {  	_ =	shalt  }
0x7c: {  	_ =	shalt  }
0x7d: {  	_ =	shalt  }
0x7e: {  	_ =	shalt  }
0x7f: {  	_ =	shalt  }
0x80: {  	_ =	shalt  }
0x81: {  	_ =	shalt  }
0x82: {  	_ =	shalt  }
0x83: {  	_ =	shalt  }
0x84: {  	_ =	shalt  }
0x85: {  	_ =	shalt  }
0x86: {  	_ =	shalt  }
0x87: {  	_ =	shalt  }
.Lfunc_end0:
.L_simem_size_0:
called_computation_lowered:
.L_overlay_start_0:
0x88: {  	s2 =	sld [smem:$0x3FD9]  }
0x89: {  	s3 =	sld [smem:$0x3FFE];
	_ =	sdelay $0x1  }
0x8a: {  	s1 =	srdreg.scid  }
0x8b: {  	s0 =	sand.u32 $0x1, s1  }
0x8c: {  	s17 =	sshll.u32 s0, $0xA;
	s2 =	sadd.s32 s3, s2  }
0x8d: {  	s2 =	sadd.s32 s2, s17  }
0x8e: {  	[smem:$0x3FC0] =	sst s2  }
0x8f: {  	_ = 	snop  }
0x90: {  	s2 =	sld [smem:$0x3FD0];
	(tm) =	ssettm $0x1  }
0x91: {  	s18 =	sld [smem:$0x3FFB];
	_ =	sdelay $0x3  }
0x92: {  	_ =	strace s18  }
0x93: {  	s3 =	sld [smem:$0x3FFC];
	_ =	sdelay $0x3  }
0x94: {  	_ =	strace s3  }
0x95: {  	s3 =	sld [smem:$0x3FFD];
	_ =	sdelay $0x3  }
0x96: {  	_ =	strace s3  }
0x97: {  	_ =	strace $0x8FFFFFFF  }
0x98: {  	s19 =	sld [smem:$0x3FDB];
	_ =	sdelay $0x1  }
0x99: {  	s4 =	simm.s32 $_scs_section_size  }
0x9a: {  	s5 =	simm.s32 $_size__tile_overlayer_lowered;
	s6 =	simm.s32 $_tile_overlayer_lowered  }
0x9b: {  	s22 =	simm.s32 $0x1BFF;
	s21 =	sshll.u32 s6, $0x1;
	s3 =	sadd.s32 s4, s19  }
0x9c: {  	s7 =	simm.s32 $0x0;
	s20 =	sshll.u32 s5, $0x1;
	s5 =	sadd.s32 s21, s3  }
0x9d: {  	[timem:s7], [sflag:s22] =	dma.local [hbm:s5], s20  }
0x9e: {  	_ =	swait.ge [sflag:s22], s20  }
0x9f: {  	s4 =	ssub.s32 $0x0, s20;
	[sflag:s22] =	ssyncset.done $0x0  }
0xa0: {  	[sflag:s22] =	ssyncadd.s32 s4;
	_ =	sdelay $0x1  }
0xa1: {  	s23 =	simm.s32 $0x1B8B  }
0xa2: {  	_ =	swait.ge [sflag:s23], $0x1  }
0xa3: {  	[sflag:s23] =	ssyncset.done $0x0  }
0xa4: {  	s25 =	simm.s32 $0x1B8E;
	s24 =	sld [smem:$0x3FFE];
	[sflag:s23] =	ssyncadd.s32 $0xFFFFFFFF  }
0xa5: {  	s26 =	simm.s32 $execute0_lowered;
	[smem:$0x3FD2] =	sst s25  }
0xa6: {  	s5 =	sshll.u32 s26, $0x1;
	_ =	strace $0x80000046;
	[dreg:$0x1] =	wrdreg $0xFFFFFFFF  }
0xa7: {  	s28 =	simm.s32 $_size_execute0_lowered;
	s3 =	sadd.s32 s3, s5;
	[dreg:$0x0] =	wrdreg $0x0  }
0xa8: {  	s5 =	sshll.u32 s28, $0x1;
	[dreg:$0x2] =	wrdreg s3  }
0xa9: {  	[dreg:$0x3] =	wrdreg s5  }
0xaa: {  	[dreg:$0x4] =	wrdreg $0xC0  }
0xab: {  	_ =	task [dreg:s7], $0x5FFFF  }
0xac: {  	[dreg:$0x1] =	wrdreg $0xFFFFFFFF  }
0xad: {  	[dreg:$0x0] =	wrdreg $0x60  }
0xae: {  	[dreg:$0x2] =	wrdreg s24  }
0xaf: {  	[dreg:$0x3] =	wrdreg s2  }
0xb0: {  	[dreg:$0x4] =	wrdreg $0x8E800  }
0xb1: {  	[dreg:$0x5] =	wrdreg $0x132680  }
0xb2: {  	[dreg:$0x6] =	wrdreg $0x9  }
0xb3: {  	_ =	task.clear_ibuf [dreg:s7], $0x7FFFF;
	_ =	strace $0x90000046  }
0xb4: {  	s29 =	simm.s32 $0x9;
	_ =	strace $0x80000048  }
0xb5: {  	_ =	swait.ge [sflag:s29], $0x1  }
0xb6: {  	[sflag:s29] =	ssyncadd.s32 $0xFFFFFFFF  }
0xb7: {  	_ =	strace $0x90000048  }
0xb8: {  	_ =	sfence  }
0xb9: {  	s30 =	sld [smem:$0x0];
	_ =	sdelay $0x2  }
0xba: {  	s31 =	sshll.u32 s1, $0xD;
	s1 =	sshrl.u32 s1, $0x2  }
0xbb: {  	s3 =	sand.u32 $0x4000, s31;
	s1 =	sadd.s32 s1, s30  }
0xbc: {  	s0 =	sor.u32 s3, s0;
	s1 =	sshll.u32 s1, $0x11  }
0xbd: {  	s0 =	sor.u32 s1, s0  }
0xbe: {  	s0 =	sadd.s32 $0x8F2B, s0  }
0xbf: {  	[sflag:s0] =	ssyncadd.remote.s32 $0x1  }
0xc0: {  	_ =	sfence.sel $0xFFFF  }
0xc1: {  	[dreg:$0x0] =	wrdreg $0xFFFFFFFF;
	(pc) =	sbr.abs _section_cstart, $3  }
0xc2: {  	[dreg:$0x1] =	wrdreg $0xFFFFFFFF  }
0xc3: {  	_ =	task.clear_ibuf [dreg:s7], $0x2FFFF;
	_ =	strace $0x9FFFFFFF  }
0xc4: {  	(tm) =	ssettm $0x7FFFFFFF  }
0xc5: {  	_ =	shalt  }
tec
execute0_lowered:
.L_overlay_start_1:
0x0: {  	(tag) =	ssettag $0x1  }
0x1: {  	s0 =	rddreg [dreg:$0x0]  }
0x2: {  	s3 =	rddreg [dreg:$0x1]  }
0x3: {  	s1 =	rddreg [dreg:$0x2]  }
0x4: {  	s2 =	rddreg [dreg:$0x3]  }
0x5: {  	s4 =	simm.s32 $0x0;
	s5 =	srdreg.scid;
	s17 =	stileid.u32  }
0x6: {  	s18 =	simm.s32 $0x12E80;
	s21 =	simm.s32 $0x1;
	s22 =	simm.s32 $0x2  }
0x7: {  	s23 =	simm.s32 $0x3;
	s24 =	simm.s32 $0x4;
	s29 =	simm.s32 $0x6F40  }
0x8: {  	s30 =	simm.s32 $0x4F80;
	s31 =	simm.s32 $0x0;
	[smem:$0x7FF] =	sst s4  }
0x9: {  	s9 =	sand.u32 $0x1, s5;
	s11 =	smul.u32 $0x14000, s17;
	s5 =	sadd.s32 $0x3A00, s0  }
0xa: {  	s6 =	sadd.s32 $0x2600, s0;
	s7 =	sadd.s32 $0x17400, s0;
	s13 =	smul.u32 $0x1400, s17  }
0xb: {  	s10 =	sshll.u32 s17, $0x1;
	_ =	strace $0x80000047;
	s8 =	smul.u32 $0x140000, s9  }
0xc: {  	s14 =	smul.u32 $0x14000, s9;
	s10 =	sor.u32 s9, s10;
	s9 =	ssub.s32 $0x2, s9  }
0xd: {  	s10 =	smul.u32 $0x2800, s10;
	s26 =	sshrl.u32 s9, $0x1;
	s28 =	sshrl.u32 s11, $0x1  }
0xe: {  	s20 =	sadd.s32 s13, s2;
	s12 =	sadd.s32 s11, s8;
	s8 =	sadd.s32 $0x17600, s0  }
0xf: {  	s25 =	sadd.s32 s13, s14;
	s16 =	ssub.s32 s9, s26;
	s11 =	sshll.u32 s17, $0x6  }
0x10: {  	s20 =	sshrl.u32 s20, $0x3;
	s26 =	simm.s32 $0x5000;
	s12 =	sshrl.u32 s12, $0x4  }
0x11: {  	s10 =	sshrl.u32 s10, $0x3;
	s19 =	sor.u32 $0x1C04, s11;
	s15 =	sadd.s32 s12, s0  }
0x12: {  	s12 =	sshrl.u32 s25, $0x3;
	s9 =	sadd.s32 s3, s10;
	s3 =	sadd.s32 s28, s1  }
0x13: {  	s25 =	simm.s32 $0x7D;
	s0 =	sadd.s32 s12, s0;
	s10 =	sadd.s32 $0xA000, s9  }
0x14: {  	s12 =	sor.u32 $0x1C03, s11;
	s13 =	sadd.s32 $0x17A00, s15;
	s15 =	smax.u32 s16, $0x1  }
0x15: {  	s16 =	simm.s32 $0x2800;
	s17 =	sshrl.u32 s3, $0x3;
	s14 =	sadd.s32 $0x3FA00, s0  }
.LBB2_1:
0x16: {  	[tilespmem:s4], [sflag:$0x1] =	stream.linear.gather [hbm4b:s9+s4], $0x2800, $0x38;
	[tilespmem:$0x14668] =	vst v63  }
0x17: {  	_ = 	snop  }
0x18: {  	[tilespmem:s16], [sflag:$0x2] =	stream.linear.gather [hbm4b:s10+s4], $0x2800, $0x38;
	[tilespmem:$0x14668] =	vst v63  }
0x19: {  	[spmem:s17], [sflag:s12] =	dma.local [hbm:s6], $0x1400  }
0x1a: {  	[tilespmem:s18], [sflag:$0x4] =	stream.linear.gather [hbm4b:s7+s4], $0x3E8, $0x38;
	[tilespmem:$0x14668] =	vst v63  }
0x1b: {  	[spmem:s20], [sflag:s19] =	dma.local [hbm:s8], $0x280  }
0x1c: {  	_ =	swait.ge [sflag:s21], $0x2800  }
0x1d: {  	[sflag:s21] =	ssyncset.done $0x0  }
0x1e: {  	[sflag:s21] =	ssyncadd.s32 $0xFFFFD800  }
0x1f: {  	_ =	swait.ge [sflag:s22], $0x2800  }
0x20: {  	[sflag:s22] =	ssyncset.done $0x0  }
0x21: {  	[sflag:s22] =	ssyncadd.s32 $0xFFFFD800  }
0x22: {  	_ =	swait.ge [sflag:s23], $0x1400  }
0x23: {  	[sflag:s23] =	ssyncset.done $0x0  }
0x24: {  	[sflag:s23] =	ssyncadd.s32 $0xFFFFEC00  }
0x25: {  	_ =	swait.ge [sflag:s24], $0x3E8  }
0x26: {  	[sflag:s24] =	ssyncset.done $0x0  }
0x27: {  	[sflag:s24] =	ssyncadd.s32 $0xFFFFFC18  }
0x28: {  	_ =	swait.ge [sflag:s24], $0x280  }
0x29: {  	[sflag:s24] =	ssyncset.done $0x0  }
0x2a: {  	[sflag:s24] =	ssyncadd.s32 $0xFFFFFD80  }
0x2b: {  	[bflag:$0x0] =	sbarrier.arrive $0xFFFF  }
0x2c: {  	[tilespmem:s26], [sflag:$0x1] =	stream.indirect.gather [hbm4b:s5+s25], $0x40, s4, s25, $0xb8;
	[tilespmem:$0x14668] =	vst v63  }
0x2d: {  	_ =	swait.ge [sflag:s21], $0x1F40  }
0x2e: {  	[sflag:s21] =	ssyncset.done $0x0  }
0x2f: {  	[sflag:s21] =	ssyncadd.s32 $0xFFFFE0C0  }
0x30: {  	[spmem:s1] =	stream.indirect.scatter.add.bf16 [tilespmem:s26], [sflag:$0x3], $0x40, s16, s25, $0xb8;
	[tilespmem:$0x14668] =	vst v63  }
0x31: {  	_ = 	snop  }
0x32: {  	[spmem:s2] =	stream.indirect.scatter.add.f32 [tilespmem:s18], [sflag:$0x3], $0x8, s16, s25, $0xb8;
	[tilespmem:$0x14668] =	vst v63  }
0x33: {  	s0 =	simm.s32 $0x80  }
0x34: {  	[tilespmem:s29], [sflag:$0x2] =	stream.indirect.gather [hbm4b:s5+s25], $0x40, s0, s25, $0xb8;
	[tilespmem:$0x14668] =	vst v63  }
0x35: {  	_ =	swait.ge [sflag:s22], $0x1F40  }
0x36: {  	[sflag:s22] =	ssyncset.done $0x0  }
0x37: {  	s28 =	simm.s32 $0x2880;
	[sflag:s22] =	ssyncadd.s32 $0xFFFFE0C0  }
0x38: {  	[spmem:s1] =	stream.indirect.scatter.add.bf16 [tilespmem:s29], [sflag:$0x4], $0x40, s28, s25, $0xb8;
	[tilespmem:$0x14668] =	vst v63  }
0x39: {  	_ = 	snop  }
0x3a: {  	[spmem:s2] =	stream.indirect.scatter.add.f32 [tilespmem:s18], [sflag:$0x4], $0x8, s28, s25, $0xb8;
	[tilespmem:$0x14668] =	vst v63  }
0x3b: {  	_ =	swait.ge [sflag:s23], $0x1F40  }
0x3c: {  	[sflag:s23] =	ssyncset.done $0x0  }
0x3d: {  	[sflag:s23] =	ssyncadd.s32 $0xFFFFE0C0  }
0x3e: {  	_ =	swait.ge [sflag:s23], $0x3E8  }
0x3f: {  	[sflag:s23] =	ssyncset.done $0x0  }
0x40: {  	s3 =	simm.s32 $0x100;
	[sflag:s23] =	ssyncadd.s32 $0xFFFFFC18  }
0x41: {  	[tilespmem:s26], [sflag:$0x1] =	stream.indirect.gather [hbm4b:s5+s25], $0x40, s3, s25, $0xb8;
	[tilespmem:$0x14668] =	vst v63  }
0x42: {  	_ =	swait.ge [sflag:s21], $0x1F40  }
0x43: {  	[sflag:s21] =	ssyncset.done $0x0  }
0x44: {  	s28 =	simm.s32 $0x2900;
	[sflag:s21] =	ssyncadd.s32 $0xFFFFE0C0  }
0x45: {  	[spmem:s1] =	stream.indirect.scatter.add.bf16 [tilespmem:s26], [sflag:$0x3], $0x40, s28, s25, $0xb8;
	[tilespmem:$0x14668] =	vst v63  }
0x46: {  	_ = 	snop  }
0x47: {  	[spmem:s2] =	stream.indirect.scatter.add.f32 [tilespmem:s18], [sflag:$0x3], $0x8, s28, s25, $0xb8;
	[tilespmem:$0x14668] =	vst v63  }
0x48: {  	_ =	swait.ge [sflag:s24], $0x1F40  }
0x49: {  	[sflag:s24] =	ssyncset.done $0x0  }
0x4a: {  	[sflag:s24] =	ssyncadd.s32 $0xFFFFE0C0  }
0x4b: {  	_ =	swait.ge [sflag:s24], $0x3E8  }
0x4c: {  	[sflag:s24] =	ssyncset.done $0x0  }
0x4d: {  	s0 =	simm.s32 $0xFFFF6800;
	s3 =	simm.s32 $0x180;
	[sflag:s24] =	ssyncadd.s32 $0xFFFFFC18  }
.LBB2_2:
0x4e: {  	[tilespmem:s29], [sflag:$0x2] =	stream.indirect.gather [hbm4b:s5+s25], $0x40, s3, s25, $0xb8;
	[tilespmem:$0x14668] =	vst v63  }
0x4f: {  	s3 =	smov.u32 s0  }
0x50: {  	p0 =	sne.s32 s0, $0xFFFFFC00;
	s0 =	sadd.s32 $0x400, s0;
	_ =	swait.ge [sflag:s22], $0x1F40  }
0x51: {  	s3 =	sshra.s32 s3, $0x2;
	[sflag:s22] =	ssyncset.done $0x0  }
0x52: {  	s28 =	sadd.s32 $0x4F80, s3;
	[sflag:s22] =	ssyncadd.s32 $0xFFFFE0C0  }
0x53: {  	[spmem:s1] =	stream.indirect.scatter.add.bf16 [tilespmem:s29], [sflag:$0x4], $0x40, s28, s25, $0xb8;
	[tilespmem:$0x14668] =	vst v63  }
0x54: {  	_ = 	snop  }
0x55: {  	[spmem:s2] =	stream.indirect.scatter.add.f32 [tilespmem:s18], [sflag:$0x4], $0x8, s28, s25, $0xb8;
	[tilespmem:$0x14668] =	vst v63  }
0x56: {  	_ =	swait.ge [sflag:s23], $0x1F40  }
0x57: {  	[sflag:s23] =	ssyncset.done $0x0  }
0x58: {  	[sflag:s23] =	ssyncadd.s32 $0xFFFFE0C0  }
0x59: {  	_ =	swait.ge [sflag:s23], $0x3E8  }
0x5a: {  	[sflag:s23] =	ssyncset.done $0x0  }
0x5b: {  	s28 =	sadd.s32 $0x2800, s3;
	[sflag:s23] =	ssyncadd.s32 $0xFFFFFC18  }
0x5c: {  	[tilespmem:s26], [sflag:$0x1] =	stream.indirect.gather [hbm4b:s5+s25], $0x40, s28, s25, $0xb8;
	[tilespmem:$0x14668] =	vst v63  }
0x5d: {  	_ =	swait.ge [sflag:s21], $0x1F40  }
0x5e: {  	[sflag:s21] =	ssyncset.done $0x0  }
0x5f: {  	s28 =	sadd.s32 $0x5000, s3;
	[sflag:s21] =	ssyncadd.s32 $0xFFFFE0C0  }
0x60: {  	[spmem:s1] =	stream.indirect.scatter.add.bf16 [tilespmem:s26], [sflag:$0x3], $0x40, s28, s25, $0xb8;
	[tilespmem:$0x14668] =	vst v63  }
0x61: {  	_ = 	snop  }
0x62: {  	[spmem:s2] =	stream.indirect.scatter.add.f32 [tilespmem:s18], [sflag:$0x3], $0x8, s28, s25, $0xb8;
	[tilespmem:$0x14668] =	vst v63  }
0x63: {  	_ =	swait.ge [sflag:s24], $0x1F40  }
.Ltmp0:
0x64: {  	[sflag:s24] =	ssyncset.done $0x0;
	(pc) =	sbr.rel @p0 .LBB2_2-.Ltmp0, $4  }
0x65: {  	[sflag:s24] =	ssyncadd.s32 $0xFFFFE0C0  }
0x66: {  	_ =	swait.ge [sflag:s24], $0x3E8  }
0x67: {  	[sflag:s24] =	ssyncset.done $0x0  }
0x68: {  	s3 =	sadd.s32 $0x2880, s3;
	[sflag:s24] =	ssyncadd.s32 $0xFFFFFC18  }
0x69: {  	[tilespmem:s29], [sflag:$0x2] =	stream.indirect.gather [hbm4b:s5+s25], $0x40, s3, s25, $0xb8;
	[tilespmem:$0x14668] =	vst v63  }
0x6a: {  	_ =	swait.ge [sflag:s22], $0x1F40  }
0x6b: {  	[sflag:s22] =	ssyncset.done $0x0  }
0x6c: {  	[sflag:s22] =	ssyncadd.s32 $0xFFFFE0C0  }
0x6d: {  	[spmem:s1] =	stream.indirect.scatter.add.bf16 [tilespmem:s29], [sflag:$0x4], $0x40, s30, s25, $0xb8;
	[tilespmem:$0x14668] =	vst v63  }
0x6e: {  	_ = 	snop  }
0x6f: {  	[spmem:s2] =	stream.indirect.scatter.add.f32 [tilespmem:s18], [sflag:$0x4], $0x8, s30, s25, $0xb8;
	[tilespmem:$0x14668] =	vst v63  }
0x70: {  	_ =	swait.ge [sflag:s23], $0x1F40  }
0x71: {  	[sflag:s23] =	ssyncset.done $0x0  }
0x72: {  	[sflag:s23] =	ssyncadd.s32 $0xFFFFE0C0  }
0x73: {  	_ =	swait.ge [sflag:s23], $0x3E8  }
0x74: {  	[sflag:s23] =	ssyncset.done $0x0  }
0x75: {  	[sflag:s23] =	ssyncadd.s32 $0xFFFFFC18  }
0x76: {  	_ =	swait.ge [sflag:s24], $0x1F40  }
0x77: {  	[sflag:s24] =	ssyncset.done $0x0  }
0x78: {  	[sflag:s24] =	ssyncadd.s32 $0xFFFFE0C0  }
0x79: {  	_ =	swait.ge [sflag:s24], $0x3E8  }
0x7a: {  	[sflag:s24] =	ssyncset.done $0x0  }
0x7b: {  	s0 =	sor.u32 $0x1C01, s11;
	[sflag:s24] =	ssyncadd.s32 $0xFFFFFC18  }
0x7c: {  	s28 =	sor.u32 $0x1C02, s11;
	s31 =	sadd.s32 $0x1, s31;
	[bflag:$0x0] =	sbarrier.arrive $0xFFFF  }
0x7d: {  	[hbm:s13], [sflag:s0] =	dma.local [spmem:s17], $0x1400  }
0x7e: {  	[hbm:s14], [sflag:s28] =	dma.local [spmem:s20], $0x280  }
0x7f: {  	p0 =	sne.s32 s31, s15;
	_ =	swait.ge [sflag:s21], $0x1400  }
.Ltmp1:
0x80: {  	[sflag:s21] =	ssyncset.done $0x0;
	(pc) =	sbr.rel @p0 .LBB2_1-.Ltmp1, $4  }
0x81: {  	[sflag:s21] =	ssyncadd.s32 $0xFFFFEC00  }
0x82: {  	_ =	swait.ge [sflag:s22], $0x280  }
0x83: {  	[sflag:s22] =	ssyncset.done $0x0  }
0x84: {  	[sflag:s22] =	ssyncadd.s32 $0xFFFFFD80  }
0x85: {  	_ =	sfence.sel $0x180000  }
0x86: {  	[bflag:$0x0] =	sbarrier.arrive $0xFFFF  }
0x87: {  	_ =	strace $0x90000047  }
0x88: {  	s0 =	stileid.u32;
	[bflag:$0x2] =	sbarrier.arrive $0xFFFF  }
0x89: {  	p0 =	sne.s32 s0, $0x0;
	s0 =	rddreg [dreg:$0x4]  }
0x8a: {  	s0 =	sadd.s32 @!p0 $0x100000, s0  }
0x8b: {  	[sflag:s0] =	ssyncadd.tile.s32 @!p0 $0x1;
	_ =	shalt  }
.Lfunc_end2:
_tile_overlayer_lowered:
.L_overlay_start_2:
0x8c: {  	(tag) =	ssettag $0x2  }
0x8d: {  	s0 =	rddreg [dreg:$0x0];
	s2 =	stileid.u32  }
0x8e: {  	s1 =	rddreg [dreg:$0x1];
	p0 =	sne.s32 s2, $0x0  }
0x8f: {  	s3 =	rddreg [dreg:$0x2];
	[bflag:$0x3] =	sbarrier.arrive $0xFFFF;
	s2 =	simm.s32 @!p0 $0x1C05  }
0x90: {  	[timem:s3], [sflag:s2] =	dma.local @!p0 [hbm:s0], s1  }
0x91: {  	s0 =	simm.s32 @!p0 $0x5  }
0x92: {  	_ =	swait.ge @!p0 [sflag:s0], s1  }
0x93: {  	s1 =	ssub.s32 @!p0 $0x0, s1;
	[sflag:s0] =	ssyncset.done @!p0 $0x0  }
0x94: {  	[sflag:s0] =	ssyncadd.s32 @!p0 s1  }
0x95: {  	[bflag:$0x3] =	sbarrier.arrive $0xFFFF  }
0x96: {  	_ =	shalt  }

// kernel: kernel.9.cloned.1.call-start
scs
__scs_entry_jumppad:
0x0: {  	(pc) =	sbr.rel $0x88, $3  }
0x1: {  	(tag) =	ssettag $0x0;
	lr =	simm.s32 $0x1  }
0x2: {  	[smem:$0x3F99] =	sst lr;
	_ =	strace $0xD0000000  }
0x3: {  	_ = 	snop  }
0x4: {  	_ = 	snop  }
0x5: {  	_ = 	snop  }
0x6: {  	_ = 	snop  }
0x7: {  	_ = 	snop  }
__scs_overlays_trampoline_lowered:
0x8: {  	[smem:$0x3FA8] =	sst s0  }
0x9: {  	[smem:$0x3FA9] =	sst s1  }
0xa: {  	[smem:$0x3FAA] =	sst s2  }
0xb: {  	[smem:$0x3FAB] =	sst s3  }
0xc: {  	[smem:$0x3FAC] =	sst s4  }
0xd: {  	[smem:$0x3FAD] =	sst s5  }
0xe: {  	[smem:$0x3FAE] =	sst s6  }
0xf: {  	[smem:$0x3FAF] =	sst s7  }
0x10: {  	[smem:$0x3FB0] =	sst s8  }
0x11: {  	[smem:$0x3FB1] =	sst s9;
	s0 =	simm.s32 @!p0 $0x0  }
0x12: {  	s1 =	sld [smem:$0x3F97];
	s0 =	simm.s32 @p0 $0x1  }
0x13: {  	[smem:$0x3FB2] =	sst s0;
	s0 =	simm.s32 @!p1 $0x0  }
0x14: {  	s2 =	sld [smem:$0x3F96];
	s0 =	simm.s32 @p1 $0x1  }
0x15: {  	[smem:$0x3FB3] =	sst s0;
	s0 =	simm.s32 @!p2 $0x0  }
0x16: {  	s3 =	sld [smem:$0x3FDB];
	s0 =	simm.s32 @p2 $0x1  }
0x17: {  	s4 =	simm.s32 $0x1BF5;
	[smem:$0x3FB5] =	sst s0  }
0x18: {  	s0 =	sld [smem:$0x3F98];
	_ =	swait.ge [sflag:s4], $0x0  }
0x19: {  	s7 =	sld [smem:$0x3F99]  }
0x1a: {  	s8 =	sadd.s32 $0xFFFFE003, lr  }
0x1b: {  	s9 =	sadd.s32 $0xFFFFFEF7, lr;
	s5 =	simm.s32 $0xFFFFFFFF;
	p2 =	slt.u32 s8, $0xFFFFF086  }
0x1c: {  	p1 =	slt.u32 s9, $0xF7A;
	s5 =	simm.s32 @!p2 $0x0  }
0x1d: {  	s5 =	simm.s32 @p1 $0x1;
	p0 =	seq.s32 s7, s2  }
0x1e: {  	s7 =	smul.u32 @!p0 $0xF7A, s2;
	p2 =	seq.s32 @!p0 s5, $0x0  }
0x1f: {  	s9 =	smul.u32 $0xF7A, s1;
	s8 =	simm.s32 @!p0 $0x1BF5;
	p2 =	por !p2, p0  }
0x20: {  	[sflag:s8] =	ssyncset.s32 @!p0 $0xFFFFF086;
	s6 =	sadd.s32 @!p0 s3, s7;
	s7 =	simm.s32 @!p0 $0x108  }
0x21: {  	s3 =	sadd.s32 s3, s9;
	s6 =	sadd.s32 @!p0 $0x88, s6;
	s7 =	simm.s32 @p2 $0x1082  }
0x22: {  	[simem:s7], [sflag:s8] =	dma.local @!p0 [hbm:s6], $0xF7A  }
0x23: {  	s9 =	sor.u32 $0xD0000000, s2;
	s6 =	simm.s32 $0x108;
	_ =	swait.ge @!p0 [sflag:s8], $0x0  }
0x24: {  	s3 =	sadd.s32 $0x88, s3;
	s6 =	simm.s32 @!p1 $0x1082;
	[sflag:s4] =	ssyncset.s32 $0xFFFFF086  }
0x25: {  	[simem:s6], [sflag:s4] =	dma.local [hbm:s3], $0xF7A  }
0x26: {  	[smem:$0x3F99] =	sst s1;
	(tag) =	ssettag s2;
	_ =	strace s9  }
0x27: {  	s1 =	sld [smem:$0x3FA9]  }
0x28: {  	s2 =	sld [smem:$0x3FAA]  }
0x29: {  	s4 =	sld [smem:$0x3FAC]  }
0x2a: {  	p0 =	seq.s32 s5, $0x0;
	s5 =	sld [smem:$0x3FAD]  }
0x2b: {  	s6 =	sld [smem:$0x3FAE]  }
0x2c: {  	s7 =	sld [smem:$0x3FAF]  }
0x2d: {  	s3 =	simm.s32 $0x108;
	s8 =	sld [smem:$0x3FB0]  }
0x2e: {  	s3 =	simm.s32 @!p0 $0x1082;
	s9 =	sld [smem:$0x3FB1]  }
0x2f: {  	lr =	sadd.s32 s0, s3;
	s0 =	sld [smem:$0x3FA8]  }
0x30: {  	s3 =	sld [smem:$0x3FAB]  }
0x31: {  	[smem:$0x3FB4] =	sst s10  }
0x32: {  	s10 =	sld [smem:$0x3FB2];
	_ =	sdelay $0x3  }
0x33: {  	p0 =	seq.s32 s10, $0x1;
	s10 =	sld [smem:$0x3FB4];
	_ =	sdelay $0x3  }
0x34: {  	[smem:$0x3FB4] =	sst s10  }
0x35: {  	s10 =	sld [smem:$0x3FB3];
	_ =	sdelay $0x3  }
0x36: {  	p1 =	seq.s32 s10, $0x1;
	s10 =	sld [smem:$0x3FB4];
	_ =	sdelay $0x3  }
0x37: {  	[smem:$0x3FB4] =	sst s10  }
0x38: {  	s10 =	sld [smem:$0x3FB5]  }
0x39: {  	_ = 	snop;
	(pc) =	sbr.ind lr, $3  }
0x3a: {  	_ = 	snop  }
0x3b: {  	_ = 	snop  }
0x3c: {  	p2 =	seq.s32 s10, $0x1;
	s10 =	sld [smem:$0x3FB4]  }
0x3d: {  	_ =	shalt  }
0x3e: {  	_ =	shalt  }
0x3f: {  	_ =	shalt  }
0x40: {  	_ =	shalt  }
0x41: {  	_ =	shalt  }
0x42: {  	_ =	shalt  }
0x43: {  	_ =	shalt  }
0x44: {  	_ =	shalt  }
0x45: {  	_ =	shalt  }
0x46: {  	_ =	shalt  }
0x47: {  	_ =	shalt  }
0x48: {  	_ =	shalt  }
0x49: {  	_ =	shalt  }
0x4a: {  	_ =	shalt  }
0x4b: {  	_ =	shalt  }
0x4c: {  	_ =	shalt  }
0x4d: {  	_ =	shalt  }
0x4e: {  	_ =	shalt  }
0x4f: {  	_ =	shalt  }
0x50: {  	_ =	shalt  }
0x51: {  	_ =	shalt  }
0x52: {  	_ =	shalt  }
0x53: {  	_ =	shalt  }
0x54: {  	_ =	shalt  }
0x55: {  	_ =	shalt  }
0x56: {  	_ =	shalt  }
0x57: {  	_ =	shalt  }
0x58: {  	_ =	shalt  }
0x59: {  	_ =	shalt  }
0x5a: {  	_ =	shalt  }
0x5b: {  	_ =	shalt  }
0x5c: {  	_ =	shalt  }
0x5d: {  	_ =	shalt  }
0x5e: {  	_ =	shalt  }
0x5f: {  	_ =	shalt  }
0x60: {  	_ =	shalt  }
0x61: {  	_ =	shalt  }
0x62: {  	_ =	shalt  }
0x63: {  	_ =	shalt  }
0x64: {  	_ =	shalt  }
0x65: {  	_ =	shalt  }
0x66: {  	_ =	shalt  }
0x67: {  	_ =	shalt  }
0x68: {  	_ =	shalt  }
0x69: {  	_ =	shalt  }
0x6a: {  	_ =	shalt  }
0x6b: {  	_ =	shalt  }
0x6c: {  	_ =	shalt  }
0x6d: {  	_ =	shalt  }
0x6e: {  	_ =	shalt  }
0x6f: {  	_ =	shalt  }
0x70: {  	_ =	shalt  }
0x71: {  	_ =	shalt  }
0x72: {  	_ =	shalt  }
0x73: {  	_ =	shalt  }
0x74: {  	_ =	shalt  }
0x75: {  	_ =	shalt  }
0x76: {  	_ =	shalt  }
0x77: {  	_ =	shalt  }
0x78: {  	_ =	shalt  }
0x79: {  	_ =	shalt  }
0x7a: {  	_ =	shalt  }
0x7b: {  	_ =	shalt  }
0x7c: {  	_ =	shalt  }
0x7d: {  	_ =	shalt  }
0x7e: {  	_ =	shalt  }
0x7f: {  	_ =	shalt  }
0x80: {  	_ =	shalt  }
0x81: {  	_ =	shalt  }
0x82: {  	_ =	shalt  }
0x83: {  	_ =	shalt  }
0x84: {  	_ =	shalt  }
0x85: {  	_ =	shalt  }
0x86: {  	_ =	shalt  }
0x87: {  	_ =	shalt  }
.Lfunc_end0:
.L_simem_size_0:
called_computation.1_lowered:
.L_overlay_start_0:
0x88: {  	s2 =	sld [smem:$0x3FD9]  }
0x89: {  	s3 =	sld [smem:$0x3FFE];
	_ =	sdelay $0x1  }
0x8a: {  	s1 =	srdreg.scid  }
0x8b: {  	s0 =	sand.u32 $0x1, s1  }
0x8c: {  	s17 =	sshll.u32 s0, $0xA;
	s2 =	sadd.s32 s3, s2  }
0x8d: {  	s2 =	sadd.s32 s2, s17  }
0x8e: {  	[smem:$0x3FC0] =	sst s2  }
0x8f: {  	_ = 	snop  }
0x90: {  	s2 =	sld [smem:$0x3FD0];
	(tm) =	ssettm $0x1  }
0x91: {  	s18 =	sld [smem:$0x3FFB];
	_ =	sdelay $0x3  }
0x92: {  	_ =	strace s18  }
0x93: {  	s3 =	sld [smem:$0x3FFC];
	_ =	sdelay $0x3  }
0x94: {  	_ =	strace s3  }
0x95: {  	s3 =	sld [smem:$0x3FFD];
	_ =	sdelay $0x3  }
0x96: {  	_ =	strace s3  }
0x97: {  	_ =	strace $0x8FFFFFFF  }
0x98: {  	s19 =	sld [smem:$0x3FDB];
	_ =	sdelay $0x1  }
0x99: {  	s4 =	simm.s32 $_scs_section_size  }
0x9a: {  	s5 =	simm.s32 $_size__tile_overlayer_lowered;
	s6 =	simm.s32 $_tile_overlayer_lowered  }
0x9b: {  	s22 =	simm.s32 $0x1BFF;
	s21 =	sshll.u32 s6, $0x1;
	s3 =	sadd.s32 s4, s19  }
0x9c: {  	s7 =	simm.s32 $0x0;
	s20 =	sshll.u32 s5, $0x1;
	s5 =	sadd.s32 s21, s3  }
0x9d: {  	[timem:s7], [sflag:s22] =	dma.local [hbm:s5], s20  }
0x9e: {  	_ =	swait.ge [sflag:s22], s20  }
0x9f: {  	s4 =	ssub.s32 $0x0, s20;
	[sflag:s22] =	ssyncset.done $0x0  }
0xa0: {  	[sflag:s22] =	ssyncadd.s32 s4;
	_ =	sdelay $0x1  }
0xa1: {  	s23 =	simm.s32 $0x1B8B  }
0xa2: {  	_ =	swait.ge [sflag:s23], $0x1  }
0xa3: {  	[sflag:s23] =	ssyncset.done $0x0  }
0xa4: {  	s25 =	simm.s32 $0x1B8E;
	s24 =	sld [smem:$0x3FFE];
	[sflag:s23] =	ssyncadd.s32 $0xFFFFFFFF  }
0xa5: {  	s26 =	simm.s32 $execute0_lowered;
	[smem:$0x3FD2] =	sst s25  }
0xa6: {  	s5 =	sshll.u32 s26, $0x1;
	_ =	strace $0x80000049;
	[dreg:$0x1] =	wrdreg $0xFFFFFFFF  }
0xa7: {  	s28 =	simm.s32 $_size_execute0_lowered;
	s3 =	sadd.s32 s3, s5;
	[dreg:$0x0] =	wrdreg $0x0  }
0xa8: {  	s5 =	sshll.u32 s28, $0x1;
	[dreg:$0x2] =	wrdreg s3  }
0xa9: {  	[dreg:$0x3] =	wrdreg s5  }
0xaa: {  	[dreg:$0x4] =	wrdreg $0xC0  }
0xab: {  	_ =	task [dreg:s7], $0x5FFFF  }
0xac: {  	[dreg:$0x1] =	wrdreg $0xFFFFFFFF  }
0xad: {  	[dreg:$0x0] =	wrdreg $0x60  }
0xae: {  	[dreg:$0x2] =	wrdreg s24  }
0xaf: {  	[dreg:$0x3] =	wrdreg s2  }
0xb0: {  	[dreg:$0x4] =	wrdreg $0x8E800  }
0xb1: {  	[dreg:$0x5] =	wrdreg $0x9  }
0xb2: {  	_ =	task.clear_ibuf [dreg:s7], $0x6FFFF;
	_ =	strace $0x90000049  }
0xb3: {  	s29 =	simm.s32 $0x9;
	_ =	strace $0x8000004B  }
0xb4: {  	_ =	swait.ge [sflag:s29], $0x1  }
0xb5: {  	[sflag:s29] =	ssyncadd.s32 $0xFFFFFFFF  }
0xb6: {  	_ =	strace $0x9000004B  }
0xb7: {  	_ =	sfence  }
0xb8: {  	s30 =	sld [smem:$0x0];
	_ =	sdelay $0x2  }
0xb9: {  	s31 =	sshll.u32 s1, $0xD;
	s1 =	sshrl.u32 s1, $0x2  }
0xba: {  	s3 =	sand.u32 $0x4000, s31;
	s1 =	sadd.s32 s1, s30  }
0xbb: {  	s0 =	sor.u32 s3, s0;
	s1 =	sshll.u32 s1, $0x11  }
0xbc: {  	s0 =	sor.u32 s1, s0  }
0xbd: {  	s0 =	sadd.s32 $0x8F2B, s0  }
0xbe: {  	[sflag:s0] =	ssyncadd.remote.s32 $0x1  }
0xbf: {  	_ =	sfence.sel $0xFFFF  }
0xc0: {  	[dreg:$0x0] =	wrdreg $0xFFFFFFFF;
	(pc) =	sbr.abs _section_cstart, $3  }
0xc1: {  	[dreg:$0x1] =	wrdreg $0xFFFFFFFF  }
0xc2: {  	_ =	task.clear_ibuf [dreg:s7], $0x2FFFF;
	_ =	strace $0x9FFFFFFF  }
0xc3: {  	(tm) =	ssettm $0x7FFFFFFF  }
tec
execute0_lowered:
.L_overlay_start_1:
0x0: {  	(tag) =	ssettag $0x1  }
0x1: {  	s6 =	rddreg [dreg:$0x0]  }
0x2: {  	s7 =	rddreg [dreg:$0x1]  }
0x3: {  	s2 =	rddreg [dreg:$0x2]  }
0x4: {  	s0 =	rddreg [dreg:$0x3]  }
0x5: {  	s4 =	srdreg.scid;
	s1 =	stileid.u32  }
0x6: {  	s3 =	simm.s32 $0x0;
	s13 =	simm.s32 $0x1;
	s14 =	simm.s32 $0x2  }
0x7: {  	s15 =	simm.s32 $0x3;
	s16 =	simm.s32 $0x7D;
	s17 =	simm.s32 $0x5000  }
0x8: {  	s18 =	simm.s32 $0x80;
	s19 =	simm.s32 $0x6F40;
	s20 =	simm.s32 $0x4  }
0x9: {  	s21 =	simm.s32 $0x4F80;
	s23 =	simm.s32 $0x0;
	s5 =	sand.u32 $0x1, s4  }
0xa: {  	s8 =	smul.u32 $0x14000, s1;
	[smem:$0x7FF] =	sst s3;
	s10 =	sshll.u32 s1, $0x1  }
0xb: {  	s4 =	sadd.s32 $0x3A00, s6;
	s22 =	sshll.u32 s1, $0x6;
	s9 =	smul.u32 $0x140000, s5  }
0xc: {  	_ =	strace $0x8000004A;
	s10 =	sor.u32 s5, s10;
	s11 =	ssub.s32 $0x2, s5  }
0xd: {  	s5 =	sadd.s32 $0x2600, s6;
	s10 =	smul.u32 $0x2800, s10;
	s12 =	sshrl.u32 s11, $0x1  }
0xe: {  	s9 =	sadd.s32 s8, s9;
	s11 =	ssub.s32 s11, s12;
	s8 =	sshrl.u32 s8, $0x1  }
0xf: {  	s9 =	sshrl.u32 s9, $0x4;
	s30 =	sshrl.u32 s10, $0x3;
	s31 =	sadd.s32 s8, s2  }
0x10: {  	s8 =	sor.u32 $0x1C03, s22;
	s10 =	smax.u32 s11, $0x1;
	s11 =	simm.s32 $0x2800  }
0x11: {  	s22 =	sor.u32 $0x1C01, s22;
	s9 =	sadd.s32 s9, s6;
	s6 =	sadd.s32 s7, s30  }
0x12: {  	s12 =	sshrl.u32 s31, $0x3;
	s7 =	sadd.s32 $0xA000, s6;
	s9 =	sadd.s32 $0x17400, s9  }
.LBB2_1:
0x13: {  	[tilespmem:s3], [sflag:$0x1] =	stream.linear.gather [hbm4b:s6+s3], $0x2800, $0x38;
	[tilespmem:$0x12E80] =	vst v63  }
0x14: {  	_ = 	snop  }
0x15: {  	[tilespmem:s11], [sflag:$0x2] =	stream.linear.gather [hbm4b:s7+s3], $0x2800, $0x38;
	[tilespmem:$0x12E80] =	vst v63  }
0x16: {  	[spmem:s12], [sflag:s8] =	dma.local [hbm:s5], $0x1400  }
0x17: {  	_ =	swait.ge [sflag:s13], $0x2800  }
0x18: {  	[sflag:s13] =	ssyncset.done $0x0  }
0x19: {  	[sflag:s13] =	ssyncadd.s32 $0xFFFFD800  }
0x1a: {  	_ =	swait.ge [sflag:s14], $0x2800  }
0x1b: {  	[sflag:s14] =	ssyncset.done $0x0  }
0x1c: {  	[sflag:s14] =	ssyncadd.s32 $0xFFFFD800  }
0x1d: {  	_ =	swait.ge [sflag:s15], $0x1400  }
0x1e: {  	[sflag:s15] =	ssyncset.done $0x0  }
0x1f: {  	[sflag:s15] =	ssyncadd.s32 $0xFFFFEC00  }
0x20: {  	[bflag:$0x0] =	sbarrier.arrive $0xFFFF  }
0x21: {  	[tilespmem:s17], [sflag:$0x1] =	stream.indirect.gather [hbm4b:s4+s16], $0x40, s3, s16, $0xb8;
	[tilespmem:$0x12E80] =	vst v63  }
0x22: {  	_ =	swait.ge [sflag:s13], $0x1F40  }
0x23: {  	[sflag:s13] =	ssyncset.done $0x0  }
0x24: {  	[sflag:s13] =	ssyncadd.s32 $0xFFFFE0C0  }
0x25: {  	[spmem:s2] =	stream.indirect.scatter.add.bf16 [tilespmem:s17], [sflag:$0x3], $0x40, s11, s16, $0xb8;
	[tilespmem:$0x12E80] =	vst v63  }
0x26: {  	_ = 	snop  }
0x27: {  	[tilespmem:s19], [sflag:$0x2] =	stream.indirect.gather [hbm4b:s4+s16], $0x40, s18, s16, $0xb8;
	[tilespmem:$0x12E80] =	vst v63  }
0x28: {  	_ =	swait.ge [sflag:s14], $0x1F40  }
0x29: {  	[sflag:s14] =	ssyncset.done $0x0  }
0x2a: {  	s24 =	simm.s32 $0x2880;
	[sflag:s14] =	ssyncadd.s32 $0xFFFFE0C0  }
0x2b: {  	[spmem:s2] =	stream.indirect.scatter.add.bf16 [tilespmem:s19], [sflag:$0x4], $0x40, s24, s16, $0xb8;
	[tilespmem:$0x12E80] =	vst v63  }
0x2c: {  	_ =	swait.ge [sflag:s15], $0x1F40  }
0x2d: {  	[sflag:s15] =	ssyncset.done $0x0  }
0x2e: {  	s30 =	simm.s32 $0x100;
	[sflag:s15] =	ssyncadd.s32 $0xFFFFE0C0  }
0x2f: {  	[tilespmem:s17], [sflag:$0x1] =	stream.indirect.gather [hbm4b:s4+s16], $0x40, s30, s16, $0xb8;
	[tilespmem:$0x12E80] =	vst v63  }
0x30: {  	_ =	swait.ge [sflag:s13], $0x1F40  }
0x31: {  	[sflag:s13] =	ssyncset.done $0x0  }
0x32: {  	s31 =	simm.s32 $0x2900;
	[sflag:s13] =	ssyncadd.s32 $0xFFFFE0C0  }
0x33: {  	[spmem:s2] =	stream.indirect.scatter.add.bf16 [tilespmem:s17], [sflag:$0x3], $0x40, s31, s16, $0xb8;
	[tilespmem:$0x12E80] =	vst v63  }
0x34: {  	_ =	swait.ge [sflag:s20], $0x1F40  }
0x35: {  	[sflag:s20] =	ssyncset.done $0x0  }
0x36: {  	s25 =	simm.s32 $0x180;
	s24 =	simm.s32 $0xFFFF6800;
	[sflag:s20] =	ssyncadd.s32 $0xFFFFE0C0  }
.LBB2_2:
0x37: {  	[tilespmem:s19], [sflag:$0x2] =	stream.indirect.gather [hbm4b:s4+s16], $0x40, s25, s16, $0xb8;
	[tilespmem:$0x12E80] =	vst v63  }
0x38: {  	s25 =	smov.u32 s24  }
0x39: {  	p0 =	sne.s32 s24, $0xFFFFFC00;
	s24 =	sadd.s32 $0x400, s24;
	_ =	swait.ge [sflag:s14], $0x1F40  }
0x3a: {  	s25 =	sshra.s32 s25, $0x2;
	[sflag:s14] =	ssyncset.done $0x0  }
0x3b: {  	s26 =	sadd.s32 $0x4F80, s25;
	[sflag:s14] =	ssyncadd.s32 $0xFFFFE0C0  }
0x3c: {  	[spmem:s2] =	stream.indirect.scatter.add.bf16 [tilespmem:s19], [sflag:$0x4], $0x40, s26, s16, $0xb8;
	[tilespmem:$0x12E80] =	vst v63  }
0x3d: {  	_ =	swait.ge [sflag:s15], $0x1F40  }
0x3e: {  	[sflag:s15] =	ssyncset.done $0x0  }
0x3f: {  	s26 =	sadd.s32 $0x2800, s25;
	[sflag:s15] =	ssyncadd.s32 $0xFFFFE0C0  }
0x40: {  	[tilespmem:s17], [sflag:$0x1] =	stream.indirect.gather [hbm4b:s4+s16], $0x40, s26, s16, $0xb8;
	[tilespmem:$0x12E80] =	vst v63  }
0x41: {  	_ =	swait.ge [sflag:s13], $0x1F40  }
0x42: {  	[sflag:s13] =	ssyncset.done $0x0  }
.Ltmp0:
0x43: {  	s26 =	sadd.s32 $0x5000, s25;
	[sflag:s13] =	ssyncadd.s32 $0xFFFFE0C0;
	(pc) =	sbr.rel @p0 .LBB2_2-.Ltmp0, $4  }
0x44: {  	[spmem:s2] =	stream.indirect.scatter.add.bf16 [tilespmem:s17], [sflag:$0x3], $0x40, s26, s16, $0xb8;
	[tilespmem:$0x12E80] =	vst v63  }
0x45: {  	_ =	swait.ge [sflag:s20], $0x1F40  }
0x46: {  	[sflag:s20] =	ssyncset.done $0x0  }
0x47: {  	s25 =	sadd.s32 $0x2880, s25;
	[sflag:s20] =	ssyncadd.s32 $0xFFFFE0C0  }
0x48: {  	[tilespmem:s19], [sflag:$0x2] =	stream.indirect.gather [hbm4b:s4+s16], $0x40, s25, s16, $0xb8;
	[tilespmem:$0x12E80] =	vst v63  }
0x49: {  	_ =	swait.ge [sflag:s14], $0x1F40  }
0x4a: {  	[sflag:s14] =	ssyncset.done $0x0  }
0x4b: {  	[sflag:s14] =	ssyncadd.s32 $0xFFFFE0C0  }
0x4c: {  	[spmem:s2] =	stream.indirect.scatter.add.bf16 [tilespmem:s19], [sflag:$0x4], $0x40, s21, s16, $0xb8;
	[tilespmem:$0x12E80] =	vst v63  }
0x4d: {  	_ =	swait.ge [sflag:s15], $0x1F40  }
0x4e: {  	[sflag:s15] =	ssyncset.done $0x0  }
0x4f: {  	[sflag:s15] =	ssyncadd.s32 $0xFFFFE0C0  }
0x50: {  	_ =	swait.ge [sflag:s20], $0x1F40  }
0x51: {  	s23 =	sadd.s32 $0x1, s23;
	[sflag:s20] =	ssyncset.done $0x0  }
0x52: {  	p0 =	sne.s32 s23, s10;
	[sflag:s20] =	ssyncadd.s32 $0xFFFFE0C0  }
.Ltmp1:
0x53: {  	[bflag:$0x0] =	sbarrier.arrive $0xFFFF;
	(pc) =	sbr.rel @p0 .LBB2_1-.Ltmp1, $4  }
0x54: {  	[hbm:s9], [sflag:s22] =	dma.local [spmem:s12], $0x1400  }
0x55: {  	_ =	swait.ge [sflag:s13], $0x1400  }
0x56: {  	[sflag:s13] =	ssyncset.done $0x0  }
0x57: {  	[sflag:s13] =	ssyncadd.s32 $0xFFFFEC00  }
0x58: {  	_ =	sfence.sel $0x180000  }
0x59: {  	[bflag:$0x0] =	sbarrier.arrive $0xFFFF  }
0x5a: {  	p0 =	sne.s32 s1, $0x0;
	_ =	strace $0x9000004A  }
0x5b: {  	s0 =	sadd.s32 @!p0 $0x100000, s0;
	[bflag:$0x2] =	sbarrier.arrive $0xFFFF  }
0x5c: {  	[sflag:s0] =	ssyncadd.tile.s32 @!p0 $0x1;
	_ =	shalt  }
.Lfunc_end2:
_tile_overlayer_lowered:
.L_overlay_start_2:
0x5d: {  	(tag) =	ssettag $0x2  }
0x5e: {  	s0 =	rddreg [dreg:$0x0];
	s2 =	stileid.u32  }
0x5f: {  	s1 =	rddreg [dreg:$0x1];
	p0 =	sne.s32 s2, $0x0  }
0x60: {  	s3 =	rddreg [dreg:$0x2];
	[bflag:$0x3] =	sbarrier.arrive $0xFFFF;
	s2 =	simm.s32 @!p0 $0x1C05  }
0x61: {  	[timem:s3], [sflag:s2] =	dma.local @!p0 [hbm:s0], s1  }
0x62: {  	s0 =	simm.s32 @!p0 $0x5  }
0x63: {  	_ =	swait.ge @!p0 [sflag:s0], s1  }
0x64: {  	s1 =	ssub.s32 @!p0 $0x0, s1;
	[sflag:s0] =	ssyncset.done @!p0 $0x0  }
0x65: {  	[sflag:s0] =	ssyncadd.s32 @!p0 s1  }
0x66: {  	[bflag:$0x3] =	sbarrier.arrive $0xFFFF  }
0x67: {  	_ =	shalt  }

</sc_bundles>
